<compile_context>
chip_gen: v7x
topology: tpu7x:2x2x1
jax: 0.10.2.dev20260603
libtpu: 0.0.44.dev20260713+nightly
codegen_flags: <defaults>
</compile_context>

<pallas_src>
import jax
import jax.numpy as jnp
from jax import lax
from jax.experimental import pallas as pl
from jax.experimental.pallas import tpu as pltpu
from jax.experimental.pallas import tpu_sc as plsc

N_NODES = 10000
D_FEAT = 128
N_EDGES = 320000

NUM_CORES = 2
NUM_TILES = 16
NPASS = 2
FCH = D_FEAT // NPASS
EDGES_PER_TILE = N_EDGES // NUM_TILES
CHUNK = 80
CHUNKS_PER_TILE = EDGES_PER_TILE // CHUNK
ROW_START = 624
ROW_LEN = 640
ZROWS = 128
NBUF = 5
ROUNDS = CHUNKS_PER_TILE // NBUF


def _body(xa_hbm, xb_hbm, e1_hbm, e2_hbm, out_hbm,
          dst_idx, src_idx, *rest):
    rows = rest[:NBUF]
    zbuf, acc = rest[NBUF], rest[NBUF + 1]
    sems = rest[NBUF + 2:]
    gsem, ssem = sems[:NBUF], sems[NBUF:]
    c = lax.axis_index("c")
    s = lax.axis_index("s")

    @pl.when(c == 0)
    def _():
        pltpu.make_async_copy(
            e1_hbm.at[0, pl.ds(s * EDGES_PER_TILE, EDGES_PER_TILE)],
            dst_idx, sems[0]).start()
        pltpu.make_async_copy(
            e1_hbm.at[1, pl.ds(s * EDGES_PER_TILE, EDGES_PER_TILE)],
            src_idx, sems[1]).start()

    @pl.when(c == 1)
    def _():
        pltpu.make_async_copy(
            e2_hbm.at[0, pl.ds(s * EDGES_PER_TILE, EDGES_PER_TILE)],
            dst_idx, sems[0]).start()
        pltpu.make_async_copy(
            e2_hbm.at[1, pl.ds(s * EDGES_PER_TILE, EDGES_PER_TILE)],
            src_idx, sems[1]).start()

    zeros16 = jnp.zeros((16,), jnp.float32)
    zch = FCH // 16

    def zfill(r, carry):
        for k2 in range(zch):
            zbuf[r, pl.ds(k2 * 16, 16)] = zeros16
        return carry

    lax.fori_loop(0, ZROWS, zfill, 0)
    pltpu.make_async_copy(
        e1_hbm.at[0, pl.ds(s * EDGES_PER_TILE, EDGES_PER_TILE)],
        dst_idx, sems[0]).wait()
    pltpu.make_async_copy(
        e1_hbm.at[1, pl.ds(s * EDGES_PER_TILE, EDGES_PER_TILE)],
        src_idx, sems[1]).wait()

    for f, xf in enumerate((xa_hbm, xb_hbm)):
        fcol = f * FCH

        def gather(i, b, xf=xf):
            return pltpu.make_async_copy(
                xf.at[src_idx.at[pl.ds(i * CHUNK, CHUNK)]],
                rows[b], gsem[b])

        def scatter(i, b):
            return pltpu.make_async_copy(
                rows[b], acc.at[dst_idx.at[pl.ds(i * CHUNK, CHUNK)]], ssem[b])

        for k in range(ROW_LEN // ZROWS):
            pltpu.sync_copy(zbuf, acc.at[pl.ds(s * ROW_START + k * ZROWS, ZROWS)])
        plsc.subcore_barrier()

        for b in range(NBUF):
            gather(b, b).start()

        def step(g, carry):
            base = NBUF * g
            for b in range(NBUF):
                gather(base + b, b).wait()
                pltpu.async_copy(rows[b],
                                 acc.at[dst_idx.at[pl.ds((base + b) * CHUNK,
                                                         CHUNK)]],
                                 ssem[b], add=True)
            for b in range(NBUF):
                @pl.when(g < ROUNDS - 1)
                def _(b=b):
                    scatter(base + b, b).wait()
                    gather(base + NBUF + b, b).start()
            return carry

        lax.fori_loop(0, ROUNDS, step, 0)
        for b in range(NBUF):
            scatter(NBUF * (ROUNDS - 1) + b, b).wait()

        plsc.subcore_barrier()
        pltpu.sync_copy(acc.at[pl.ds(s * ROW_START, ROW_LEN)],
                        out_hbm.at[pl.ds(s * ROW_START, ROW_LEN),
                                   pl.ds(c * D_FEAT + fcol, FCH)])
        if f < NPASS - 1:
            plsc.subcore_barrier()


@jax.jit
def kernel(x, edge_index, edge_index2):
    e1 = edge_index.astype(jnp.int32)
    e2 = edge_index2.astype(jnp.int32)

    mesh = plsc.VectorSubcoreMesh(core_axis_name="c", subcore_axis_name="s")
    run = pl.kernel(
        _body,
        out_type=jax.ShapeDtypeStruct((N_NODES, NUM_CORES * D_FEAT),
                                      jnp.float32),
        mesh=mesh,
        compiler_params=pltpu.CompilerParams(use_tc_tiling_on_sc=False),
        scratch_types=[
            pltpu.VMEM((EDGES_PER_TILE,), jnp.int32),
            pltpu.VMEM((EDGES_PER_TILE,), jnp.int32),
            *[pltpu.VMEM((CHUNK, FCH), jnp.float32) for _ in range(NBUF)],
            pltpu.VMEM((ZROWS, FCH), jnp.float32),
            pltpu.VMEM_SHARED((N_NODES, FCH), jnp.float32),
            *[pltpu.SemaphoreType.DMA for _ in range(2 * NBUF)],
        ],
    )
    return run(x[:, :FCH], x[:, FCH:], e1, e2)

# --- scband reference (transcript-rebuilt; emitter-appended) ---
"""Pipeline reference for scband-h2-gcnconv-55688545960303 (READ-ONLY COPY).

The authoritative reference and input builder live on the scoring server;
editing this copy changes nothing except your own understanding.
"""

import jax, jax.numpy as jnp
import numpy as np

N_NODES = 10000
D_FEAT = 128
N_EDGES = 320000

def setup_inputs(seed: int = 0) -> dict:
    key = jax.random.key(seed)
    k1, k2, k3 = jax.random.split(key, 3)
    x = jax.random.normal(k1, (N_NODES, D_FEAT), dtype=jnp.float32)
    edge_index = jax.random.randint(k2, (2, N_EDGES), 0, N_NODES, dtype=jnp.int64)
    edge_index2 = jax.random.randint(k3, (2, N_EDGES), 0, N_NODES, dtype=jnp.int64)
    return {"x": x, "edge_index": edge_index, "edge_index2": edge_index2}

def reference(x, edge_index, edge_index2):
    # H2GCNConv.forward: x1 = matmul(adj_t, x); x2 = matmul(adj_t2, x); cat([x1, x2], dim=1)
    # adj_t / adj_t2 are binary sparse adjacency matrices (implicit value=1),
    # so sparse-dense matmul == scatter-add of source-node features into dst nodes.
    N = x.shape[0]
    dst1, src1 = edge_index[0], edge_index[1]
    dst2, src2 = edge_index2[0], edge_index2[1]
    x1 = jax.ops.segment_sum(jnp.take(x, src1, axis=0), dst1, num_segments=N)
    x2 = jax.ops.segment_sum(jnp.take(x, src2, axis=0), dst2, num_segments=N)
    return jnp.concatenate([x1, x2], axis=1)

if __name__ == "__main__":
    import jax
    _d = setup_inputs()
    print(jax.jit(kernel)(*tuple(_d.values())))

</pallas_src>

<mosaic_0001>
#map = affine_map<(d0, d1) -> (0, 0)>
module attributes {stable_mosaic.version = 14 : i64} {
  func.func @_body(%arg0: i32, %arg1: i32, %arg2: memref<10000x64xf32, #tpu.memory_space<hbm>>, %arg3: memref<10000x64xf32, #tpu.memory_space<hbm>>, %arg4: memref<2x320000xi32, #tpu.memory_space<hbm>>, %arg5: memref<2x320000xi32, #tpu.memory_space<hbm>>, %arg6: memref<10000x256xf32, #tpu.memory_space<hbm>>, %arg7: memref<20000xi32, #tpu.memory_space<vmem>>, %arg8: memref<20000xi32, #tpu.memory_space<vmem>>, %arg9: memref<80x64xf32, #tpu.memory_space<vmem>>, %arg10: memref<80x64xf32, #tpu.memory_space<vmem>>, %arg11: memref<80x64xf32, #tpu.memory_space<vmem>>, %arg12: memref<80x64xf32, #tpu.memory_space<vmem>>, %arg13: memref<80x64xf32, #tpu.memory_space<vmem>>, %arg14: memref<128x64xf32, #tpu.memory_space<vmem>>, %arg15: memref<10000x64xf32, #tpu.memory_space<vmem_shared>>, %arg16: memref<!tpu.dma_semaphore, #tpu.memory_space<semaphore_mem>>, %arg17: memref<!tpu.dma_semaphore, #tpu.memory_space<semaphore_mem>>, %arg18: memref<!tpu.dma_semaphore, #tpu.memory_space<semaphore_mem>>, %arg19: memref<!tpu.dma_semaphore, #tpu.memory_space<semaphore_mem>>, %arg20: memref<!tpu.dma_semaphore, #tpu.memory_space<semaphore_mem>>, %arg21: memref<!tpu.dma_semaphore, #tpu.memory_space<semaphore_mem>>, %arg22: memref<!tpu.dma_semaphore, #tpu.memory_space<semaphore_mem>>, %arg23: memref<!tpu.dma_semaphore, #tpu.memory_space<semaphore_mem>>, %arg24: memref<!tpu.dma_semaphore, #tpu.memory_space<semaphore_mem>>, %arg25: memref<!tpu.dma_semaphore, #tpu.memory_space<semaphore_mem>>) attributes {dimension_semantics = [#tpu.dimension_semantics<core_parallel>, #tpu.dimension_semantics<subcore_parallel>], iteration_bounds = array<i64: 2, 16>, scalar_prefetch = 0 : i64, scratch_operands = 19 : i64, tpu.core_type = #tpu.core_type<sc_vector_subcore>, window_params = [{transform_indices = #map}, {transform_indices = #map}, {transform_indices = #map}, {transform_indices = #map}, {transform_indices = #map}]} {
    %eq3A = arith.constant 0 : i32
    %eq3A_0 = arith.cmpi eq, %arg0, %eq3A : i32
    %convert_element_type3A = arith.extui %eq3A_0 : i1 to i32
    %cond3A = arith.constant 0 : i32
    %cond3A_1 = arith.cmpi ne, %convert_element_type3A, %cond3A : i32
    scf.if %cond3A_1 {
      %mul3A_195 = arith.constant 20000 : i32
      %mul3A_196 = arith.muli %arg1, %mul3A_195 : i32
      %dma_start3A_197 = arith.constant 0 : i32
      %dma_start3A_198 = tpu.memref_slice %arg4[%dma_start3A_197, %mul3A_196] : memref<2x320000xi32, #tpu.memory_space<hbm>> -> memref<1x20000xi32, #tpu.memory_space<hbm>>
      %dma_start3A_199 = tpu.memref_squeeze %dma_start3A_198 : memref<1x20000xi32, #tpu.memory_space<hbm>> -> memref<20000xi32, #tpu.memory_space<hbm>>
      %dma_start3A_200 = tpu.memref_slice %arg4[%dma_start3A_197, %mul3A_196] : memref<2x320000xi32, #tpu.memory_space<hbm>> -> memref<1x20000xi32, #tpu.memory_space<hbm>>
      %dma_start3A_201 = tpu.memref_squeeze %dma_start3A_200 : memref<1x20000xi32, #tpu.memory_space<hbm>> -> memref<20000xi32, #tpu.memory_space<hbm>>
      tpu.enqueue_dma source(%dma_start3A_201 : memref<20000xi32, #tpu.memory_space<hbm>>) target(%arg7 : memref<20000xi32, #tpu.memory_space<vmem>>) target_semaphore(%arg16 : memref<!tpu.dma_semaphore, #tpu.memory_space<semaphore_mem>>)
      %mul3A_202 = arith.constant 20000 : i32
      %mul3A_203 = arith.muli %arg1, %mul3A_202 : i32
      %dma_start3A_204 = arith.constant 1 : i32
      %dma_start3A_205 = tpu.memref_slice %arg4[%dma_start3A_204, %mul3A_203] : memref<2x320000xi32, #tpu.memory_space<hbm>> -> memref<1x20000xi32, #tpu.memory_space<hbm>>
      %dma_start3A_206 = tpu.memref_squeeze %dma_start3A_205 : memref<1x20000xi32, #tpu.memory_space<hbm>> -> memref<20000xi32, #tpu.memory_space<hbm>>
      %dma_start3A_207 = tpu.memref_slice %arg4[%dma_start3A_204, %mul3A_203] : memref<2x320000xi32, #tpu.memory_space<hbm>> -> memref<1x20000xi32, #tpu.memory_space<hbm>>
      %dma_start3A_208 = tpu.memref_squeeze %dma_start3A_207 : memref<1x20000xi32, #tpu.memory_space<hbm>> -> memref<20000xi32, #tpu.memory_space<hbm>>
      tpu.enqueue_dma source(%dma_start3A_208 : memref<20000xi32, #tpu.memory_space<hbm>>) target(%arg8 : memref<20000xi32, #tpu.memory_space<vmem>>) target_semaphore(%arg17 : memref<!tpu.dma_semaphore, #tpu.memory_space<semaphore_mem>>)
    } else {
    }
    %eq3A_2 = arith.constant 1 : i32
    %eq3A_3 = arith.cmpi eq, %arg0, %eq3A_2 : i32
    %convert_element_type3A_4 = arith.extui %eq3A_3 : i1 to i32
    %cond3A_5 = arith.constant 0 : i32
    %cond3A_6 = arith.cmpi ne, %convert_element_type3A_4, %cond3A_5 : i32
    scf.if %cond3A_6 {
      %mul3A_195 = arith.constant 20000 : i32
      %mul3A_196 = arith.muli %arg1, %mul3A_195 : i32
      %dma_start3A_197 = arith.constant 0 : i32
      %dma_start3A_198 = tpu.memref_slice %arg5[%dma_start3A_197, %mul3A_196] : memref<2x320000xi32, #tpu.memory_space<hbm>> -> memref<1x20000xi32, #tpu.memory_space<hbm>>
      %dma_start3A_199 = tpu.memref_squeeze %dma_start3A_198 : memref<1x20000xi32, #tpu.memory_space<hbm>> -> memref<20000xi32, #tpu.memory_space<hbm>>
      %dma_start3A_200 = tpu.memref_slice %arg5[%dma_start3A_197, %mul3A_196] : memref<2x320000xi32, #tpu.memory_space<hbm>> -> memref<1x20000xi32, #tpu.memory_space<hbm>>
      %dma_start3A_201 = tpu.memref_squeeze %dma_start3A_200 : memref<1x20000xi32, #tpu.memory_space<hbm>> -> memref<20000xi32, #tpu.memory_space<hbm>>
      tpu.enqueue_dma source(%dma_start3A_201 : memref<20000xi32, #tpu.memory_space<hbm>>) target(%arg7 : memref<20000xi32, #tpu.memory_space<vmem>>) target_semaphore(%arg16 : memref<!tpu.dma_semaphore, #tpu.memory_space<semaphore_mem>>)
      %mul3A_202 = arith.constant 20000 : i32
      %mul3A_203 = arith.muli %arg1, %mul3A_202 : i32
      %dma_start3A_204 = arith.constant 1 : i32
      %dma_start3A_205 = tpu.memref_slice %arg5[%dma_start3A_204, %mul3A_203] : memref<2x320000xi32, #tpu.memory_space<hbm>> -> memref<1x20000xi32, #tpu.memory_space<hbm>>
      %dma_start3A_206 = tpu.memref_squeeze %dma_start3A_205 : memref<1x20000xi32, #tpu.memory_space<hbm>> -> memref<20000xi32, #tpu.memory_space<hbm>>
      %dma_start3A_207 = tpu.memref_slice %arg5[%dma_start3A_204, %mul3A_203] : memref<2x320000xi32, #tpu.memory_space<hbm>> -> memref<1x20000xi32, #tpu.memory_space<hbm>>
      %dma_start3A_208 = tpu.memref_squeeze %dma_start3A_207 : memref<1x20000xi32, #tpu.memory_space<hbm>> -> memref<20000xi32, #tpu.memory_space<hbm>>
      tpu.enqueue_dma source(%dma_start3A_208 : memref<20000xi32, #tpu.memory_space<hbm>>) target(%arg8 : memref<20000xi32, #tpu.memory_space<vmem>>) target_semaphore(%arg17 : memref<!tpu.dma_semaphore, #tpu.memory_space<semaphore_mem>>)
    } else {
    }
    %broadcast_in_dim3A = arith.constant 0.000000e+00 : f32
    %broadcast_in_dim3A_7 = vector.broadcast %broadcast_in_dim3A : f32 to vector<16xf32>
    %scan3A = arith.constant 0 : i32
    %scan3A_8 = arith.constant 0 : i32
    %scan3A_9 = arith.constant 128 : i32
    %scan3A_10 = arith.addi %scan3A_8, %scan3A_9 : i32
    %scan3A_11 = arith.constant 1 : i32
    scf.for %scan3A_195 = %scan3A_8 to %scan3A_10 step %scan3A_11  : i32 {
      %swap3A = arith.index_cast %scan3A_195 : i32 to index
      %swap3A_196 = arith.constant 0 : index
      %swap3A_197 = tpu.vector_load %arg14[%swap3A, %swap3A_196] {strides = array<i32>} : memref<128x64xf32, #tpu.memory_space<vmem>>, vector<1x16xf32>,
      %swap3A_198 = vector.shape_cast %swap3A_197 : vector<1x16xf32> to vector<16xf32>
      %swap3A_199 = vector.shape_cast %broadcast_in_dim3A_7 : vector<16xf32> to vector<1x16xf32>
      tpu.vector_store %arg14[%swap3A, %swap3A_196], %swap3A_199 {strides = array<i32>} : memref<128x64xf32, #tpu.memory_space<vmem>>, vector<1x16xf32>,
      %swap3A_200 = arith.index_cast %scan3A_195 : i32 to index
      %swap3A_201 = arith.constant 16 : index
      %swap3A_202 = tpu.vector_load %arg14[%swap3A_200, %swap3A_201] {strides = array<i32>} : memref<128x64xf32, #tpu.memory_space<vmem>>, vector<1x16xf32>,
      %swap3A_203 = vector.shape_cast %swap3A_202 : vector<1x16xf32> to vector<16xf32>
      %swap3A_204 = vector.shape_cast %broadcast_in_dim3A_7 : vector<16xf32> to vector<1x16xf32>
      tpu.vector_store %arg14[%swap3A_200, %swap3A_201], %swap3A_204 {strides = array<i32>} : memref<128x64xf32, #tpu.memory_space<vmem>>, vector<1x16xf32>,
      %swap3A_205 = arith.index_cast %scan3A_195 : i32 to index
      %swap3A_206 = arith.constant 32 : index
      %swap3A_207 = tpu.vector_load %arg14[%swap3A_205, %swap3A_206] {strides = array<i32>} : memref<128x64xf32, #tpu.memory_space<vmem>>, vector<1x16xf32>,
      %swap3A_208 = vector.shape_cast %swap3A_207 : vector<1x16xf32> to vector<16xf32>
      %swap3A_209 = vector.shape_cast %broadcast_in_dim3A_7 : vector<16xf32> to vector<1x16xf32>
      tpu.vector_store %arg14[%swap3A_205, %swap3A_206], %swap3A_209 {strides = array<i32>} : memref<128x64xf32, #tpu.memory_space<vmem>>, vector<1x16xf32>,
      %swap3A_210 = arith.index_cast %scan3A_195 : i32 to index
      %swap3A_211 = arith.constant 48 : index
      %swap3A_212 = tpu.vector_load %arg14[%swap3A_210, %swap3A_211] {strides = array<i32>} : memref<128x64xf32, #tpu.memory_space<vmem>>, vector<1x16xf32>,
      %swap3A_213 = vector.shape_cast %swap3A_212 : vector<1x16xf32> to vector<16xf32>
      %swap3A_214 = vector.shape_cast %broadcast_in_dim3A_7 : vector<16xf32> to vector<1x16xf32>
      tpu.vector_store %arg14[%swap3A_210, %swap3A_211], %swap3A_214 {strides = array<i32>} : memref<128x64xf32, #tpu.memory_space<vmem>>, vector<1x16xf32>,
    }
    %scan3A_12 = arith.constant 128 : i32
    %mul3A = arith.constant 20000 : i32
    %mul3A_13 = arith.muli %arg1, %mul3A : i32
    %dma_wait3A = arith.constant 0 : i32
    %dma_wait3A_14 = tpu.memref_slice %arg4[%dma_wait3A, %mul3A_13] : memref<2x320000xi32, #tpu.memory_space<hbm>> -> memref<1x20000xi32, #tpu.memory_space<hbm>>
    %dma_wait3A_15 = tpu.memref_squeeze %dma_wait3A_14 : memref<1x20000xi32, #tpu.memory_space<hbm>> -> memref<20000xi32, #tpu.memory_space<hbm>>
    %dma_wait3A_16 = tpu.memref_slice %arg4[%dma_wait3A, %mul3A_13] : memref<2x320000xi32, #tpu.memory_space<hbm>> -> memref<1x20000xi32, #tpu.memory_space<hbm>>
    %dma_wait3A_17 = tpu.memref_squeeze %dma_wait3A_16 : memref<1x20000xi32, #tpu.memory_space<hbm>> -> memref<20000xi32, #tpu.memory_space<hbm>>
    tpu.wait_dma2 semaphore(%arg16 : memref<!tpu.dma_semaphore, #tpu.memory_space<semaphore_mem>>) src(%dma_wait3A_17 : memref<20000xi32, #tpu.memory_space<hbm>>) dst(%arg7 : memref<20000xi32, #tpu.memory_space<vmem>>)
    %mul3A_18 = arith.constant 20000 : i32
    %mul3A_19 = arith.muli %arg1, %mul3A_18 : i32
    %dma_wait3A_20 = arith.constant 1 : i32
    %dma_wait3A_21 = tpu.memref_slice %arg4[%dma_wait3A_20, %mul3A_19] : memref<2x320000xi32, #tpu.memory_space<hbm>> -> memref<1x20000xi32, #tpu.memory_space<hbm>>
    %dma_wait3A_22 = tpu.memref_squeeze %dma_wait3A_21 : memref<1x20000xi32, #tpu.memory_space<hbm>> -> memref<20000xi32, #tpu.memory_space<hbm>>
    %dma_wait3A_23 = tpu.memref_slice %arg4[%dma_wait3A_20, %mul3A_19] : memref<2x320000xi32, #tpu.memory_space<hbm>> -> memref<1x20000xi32, #tpu.memory_space<hbm>>
    %dma_wait3A_24 = tpu.memref_squeeze %dma_wait3A_23 : memref<1x20000xi32, #tpu.memory_space<hbm>> -> memref<20000xi32, #tpu.memory_space<hbm>>
    tpu.wait_dma2 semaphore(%arg17 : memref<!tpu.dma_semaphore, #tpu.memory_space<semaphore_mem>>) src(%dma_wait3A_24 : memref<20000xi32, #tpu.memory_space<hbm>>) dst(%arg8 : memref<20000xi32, #tpu.memory_space<vmem>>)
    %mul3A_25 = arith.constant 624 : i32
    %mul3A_26 = arith.muli %arg1, %mul3A_25 : i32
    %add3A = arith.constant 0 : i32
    %add3A_27 = arith.addi %mul3A_26, %add3A : i32
    "tpu.region"() ({
      %run_scoped3A = tpu.sem_alloc : memref<!tpu.dma_semaphore, #tpu.memory_space<semaphore_mem>>
      %dma_start3A_195 = arith.constant 0 : i32
      %dma_start3A_196 = tpu.memref_slice %arg15[%add3A_27, %dma_start3A_195] : memref<10000x64xf32, #tpu.memory_space<vmem_shared>> -> memref<128x64xf32, #tpu.memory_space<vmem_shared>>
      %dma_start3A_197 = arith.constant 0 : i32
      %dma_start3A_198 = tpu.memref_slice %arg15[%add3A_27, %dma_start3A_197] : memref<10000x64xf32, #tpu.memory_space<vmem_shared>> -> memref<128x64xf32, #tpu.memory_space<vmem_shared>>
      tpu.enqueue_dma source(%arg14 : memref<128x64xf32, #tpu.memory_space<vmem>>) target(%dma_start3A_198 : memref<128x64xf32, #tpu.memory_space<vmem_shared>>) target_semaphore(%run_scoped3A : memref<!tpu.dma_semaphore, #tpu.memory_space<semaphore_mem>>)
      %dma_wait3A_199 = arith.constant 0 : i32
      %dma_wait3A_200 = tpu.memref_slice %arg15[%add3A_27, %dma_wait3A_199] : memref<10000x64xf32, #tpu.memory_space<vmem_shared>> -> memref<128x64xf32, #tpu.memory_space<vmem_shared>>
      %dma_wait3A_201 = arith.constant 0 : i32
      %dma_wait3A_202 = tpu.memref_slice %arg15[%add3A_27, %dma_wait3A_201] : memref<10000x64xf32, #tpu.memory_space<vmem_shared>> -> memref<128x64xf32, #tpu.memory_space<vmem_shared>>
      tpu.wait_dma2 semaphore(%run_scoped3A : memref<!tpu.dma_semaphore, #tpu.memory_space<semaphore_mem>>) src(%arg14 : memref<128x64xf32, #tpu.memory_space<vmem>>) dst(%dma_wait3A_202 : memref<128x64xf32, #tpu.memory_space<vmem_shared>>)
      tpu.yield
    }) : () -> ()
    %mul3A_28 = arith.constant 624 : i32
    %mul3A_29 = arith.muli %arg1, %mul3A_28 : i32
    %add3A_30 = arith.constant 128 : i32
    %add3A_31 = arith.addi %mul3A_29, %add3A_30 : i32
    "tpu.region"() ({
      %run_scoped3A = tpu.sem_alloc : memref<!tpu.dma_semaphore, #tpu.memory_space<semaphore_mem>>
      %dma_start3A_195 = arith.constant 0 : i32
      %dma_start3A_196 = tpu.memref_slice %arg15[%add3A_31, %dma_start3A_195] : memref<10000x64xf32, #tpu.memory_space<vmem_shared>> -> memref<128x64xf32, #tpu.memory_space<vmem_shared>>
      %dma_start3A_197 = arith.constant 0 : i32
      %dma_start3A_198 = tpu.memref_slice %arg15[%add3A_31, %dma_start3A_197] : memref<10000x64xf32, #tpu.memory_space<vmem_shared>> -> memref<128x64xf32, #tpu.memory_space<vmem_shared>>
      tpu.enqueue_dma source(%arg14 : memref<128x64xf32, #tpu.memory_space<vmem>>) target(%dma_start3A_198 : memref<128x64xf32, #tpu.memory_space<vmem_shared>>) target_semaphore(%run_scoped3A : memref<!tpu.dma_semaphore, #tpu.memory_space<semaphore_mem>>)
      %dma_wait3A_199 = arith.constant 0 : i32
      %dma_wait3A_200 = tpu.memref_slice %arg15[%add3A_31, %dma_wait3A_199] : memref<10000x64xf32, #tpu.memory_space<vmem_shared>> -> memref<128x64xf32, #tpu.memory_space<vmem_shared>>
      %dma_wait3A_201 = arith.constant 0 : i32
      %dma_wait3A_202 = tpu.memref_slice %arg15[%add3A_31, %dma_wait3A_201] : memref<10000x64xf32, #tpu.memory_space<vmem_shared>> -> memref<128x64xf32, #tpu.memory_space<vmem_shared>>
      tpu.wait_dma2 semaphore(%run_scoped3A : memref<!tpu.dma_semaphore, #tpu.memory_space<semaphore_mem>>) src(%arg14 : memref<128x64xf32, #tpu.memory_space<vmem>>) dst(%dma_wait3A_202 : memref<128x64xf32, #tpu.memory_space<vmem_shared>>)
      tpu.yield
    }) : () -> ()
    %mul3A_32 = arith.constant 624 : i32
    %mul3A_33 = arith.muli %arg1, %mul3A_32 : i32
    %add3A_34 = arith.constant 256 : i32
    %add3A_35 = arith.addi %mul3A_33, %add3A_34 : i32
    "tpu.region"() ({
      %run_scoped3A = tpu.sem_alloc : memref<!tpu.dma_semaphore, #tpu.memory_space<semaphore_mem>>
      %dma_start3A_195 = arith.constant 0 : i32
      %dma_start3A_196 = tpu.memref_slice %arg15[%add3A_35, %dma_start3A_195] : memref<10000x64xf32, #tpu.memory_space<vmem_shared>> -> memref<128x64xf32, #tpu.memory_space<vmem_shared>>
      %dma_start3A_197 = arith.constant 0 : i32
      %dma_start3A_198 = tpu.memref_slice %arg15[%add3A_35, %dma_start3A_197] : memref<10000x64xf32, #tpu.memory_space<vmem_shared>> -> memref<128x64xf32, #tpu.memory_space<vmem_shared>>
      tpu.enqueue_dma source(%arg14 : memref<128x64xf32, #tpu.memory_space<vmem>>) target(%dma_start3A_198 : memref<128x64xf32, #tpu.memory_space<vmem_shared>>) target_semaphore(%run_scoped3A : memref<!tpu.dma_semaphore, #tpu.memory_space<semaphore_mem>>)
      %dma_wait3A_199 = arith.constant 0 : i32
      %dma_wait3A_200 = tpu.memref_slice %arg15[%add3A_35, %dma_wait3A_199] : memref<10000x64xf32, #tpu.memory_space<vmem_shared>> -> memref<128x64xf32, #tpu.memory_space<vmem_shared>>
      %dma_wait3A_201 = arith.constant 0 : i32
      %dma_wait3A_202 = tpu.memref_slice %arg15[%add3A_35, %dma_wait3A_201] : memref<10000x64xf32, #tpu.memory_space<vmem_shared>> -> memref<128x64xf32, #tpu.memory_space<vmem_shared>>
      tpu.wait_dma2 semaphore(%run_scoped3A : memref<!tpu.dma_semaphore, #tpu.memory_space<semaphore_mem>>) src(%arg14 : memref<128x64xf32, #tpu.memory_space<vmem>>) dst(%dma_wait3A_202 : memref<128x64xf32, #tpu.memory_space<vmem_shared>>)
      tpu.yield
    }) : () -> ()
    %mul3A_36 = arith.constant 624 : i32
    %mul3A_37 = arith.muli %arg1, %mul3A_36 : i32
    %add3A_38 = arith.constant 384 : i32
    %add3A_39 = arith.addi %mul3A_37, %add3A_38 : i32
    "tpu.region"() ({
      %run_scoped3A = tpu.sem_alloc : memref<!tpu.dma_semaphore, #tpu.memory_space<semaphore_mem>>
      %dma_start3A_195 = arith.constant 0 : i32
      %dma_start3A_196 = tpu.memref_slice %arg15[%add3A_39, %dma_start3A_195] : memref<10000x64xf32, #tpu.memory_space<vmem_shared>> -> memref<128x64xf32, #tpu.memory_space<vmem_shared>>
      %dma_start3A_197 = arith.constant 0 : i32
      %dma_start3A_198 = tpu.memref_slice %arg15[%add3A_39, %dma_start3A_197] : memref<10000x64xf32, #tpu.memory_space<vmem_shared>> -> memref<128x64xf32, #tpu.memory_space<vmem_shared>>
      tpu.enqueue_dma source(%arg14 : memref<128x64xf32, #tpu.memory_space<vmem>>) target(%dma_start3A_198 : memref<128x64xf32, #tpu.memory_space<vmem_shared>>) target_semaphore(%run_scoped3A : memref<!tpu.dma_semaphore, #tpu.memory_space<semaphore_mem>>)
      %dma_wait3A_199 = arith.constant 0 : i32
      %dma_wait3A_200 = tpu.memref_slice %arg15[%add3A_39, %dma_wait3A_199] : memref<10000x64xf32, #tpu.memory_space<vmem_shared>> -> memref<128x64xf32, #tpu.memory_space<vmem_shared>>
      %dma_wait3A_201 = arith.constant 0 : i32
      %dma_wait3A_202 = tpu.memref_slice %arg15[%add3A_39, %dma_wait3A_201] : memref<10000x64xf32, #tpu.memory_space<vmem_shared>> -> memref<128x64xf32, #tpu.memory_space<vmem_shared>>
      tpu.wait_dma2 semaphore(%run_scoped3A : memref<!tpu.dma_semaphore, #tpu.memory_space<semaphore_mem>>) src(%arg14 : memref<128x64xf32, #tpu.memory_space<vmem>>) dst(%dma_wait3A_202 : memref<128x64xf32, #tpu.memory_space<vmem_shared>>)
      tpu.yield
    }) : () -> ()
    %mul3A_40 = arith.constant 624 : i32
    %mul3A_41 = arith.muli %arg1, %mul3A_40 : i32
    %add3A_42 = arith.constant 512 : i32
    %add3A_43 = arith.addi %mul3A_41, %add3A_42 : i32
    "tpu.region"() ({
      %run_scoped3A = tpu.sem_alloc : memref<!tpu.dma_semaphore, #tpu.memory_space<semaphore_mem>>
      %dma_start3A_195 = arith.constant 0 : i32
      %dma_start3A_196 = tpu.memref_slice %arg15[%add3A_43, %dma_start3A_195] : memref<10000x64xf32, #tpu.memory_space<vmem_shared>> -> memref<128x64xf32, #tpu.memory_space<vmem_shared>>
      %dma_start3A_197 = arith.constant 0 : i32
      %dma_start3A_198 = tpu.memref_slice %arg15[%add3A_43, %dma_start3A_197] : memref<10000x64xf32, #tpu.memory_space<vmem_shared>> -> memref<128x64xf32, #tpu.memory_space<vmem_shared>>
      tpu.enqueue_dma source(%arg14 : memref<128x64xf32, #tpu.memory_space<vmem>>) target(%dma_start3A_198 : memref<128x64xf32, #tpu.memory_space<vmem_shared>>) target_semaphore(%run_scoped3A : memref<!tpu.dma_semaphore, #tpu.memory_space<semaphore_mem>>)
      %dma_wait3A_199 = arith.constant 0 : i32
      %dma_wait3A_200 = tpu.memref_slice %arg15[%add3A_43, %dma_wait3A_199] : memref<10000x64xf32, #tpu.memory_space<vmem_shared>> -> memref<128x64xf32, #tpu.memory_space<vmem_shared>>
      %dma_wait3A_201 = arith.constant 0 : i32
      %dma_wait3A_202 = tpu.memref_slice %arg15[%add3A_43, %dma_wait3A_201] : memref<10000x64xf32, #tpu.memory_space<vmem_shared>> -> memref<128x64xf32, #tpu.memory_space<vmem_shared>>
      tpu.wait_dma2 semaphore(%run_scoped3A : memref<!tpu.dma_semaphore, #tpu.memory_space<semaphore_mem>>) src(%arg14 : memref<128x64xf32, #tpu.memory_space<vmem>>) dst(%dma_wait3A_202 : memref<128x64xf32, #tpu.memory_space<vmem_shared>>)
      tpu.yield
    }) : () -> ()
    %barrier3A = arith.constant 0 : index
    tpu.barrier barrier_id(%barrier3A)
    %dma_start3A = arith.constant 0 : i32
    %dma_start3A_44 = tpu.memref_slice %arg8[%dma_start3A] : memref<20000xi32, #tpu.memory_space<vmem>> -> memref<80xi32, #tpu.memory_space<vmem>>
    %dma_start3A_45 = arith.constant 0 : i32
    %dma_start3A_46 = arith.constant 0 : i32
    %dma_start3A_47 = tpu.memref_slice %arg2[%dma_start3A_45, %dma_start3A_46] : memref<10000x64xf32, #tpu.memory_space<hbm>> -> memref<10000x64xf32, #tpu.memory_space<hbm>>
    tpu.enqueue_indirect_dma source(%dma_start3A_47 : memref<10000x64xf32, #tpu.memory_space<hbm>>) target(%arg9 : memref<80x64xf32, #tpu.memory_space<vmem>>) offsets(%dma_start3A_44 : memref<80xi32, #tpu.memory_space<vmem>>) semaphore(%arg16 : memref<!tpu.dma_semaphore, #tpu.memory_space<semaphore_mem>>)
    %dma_start3A_48 = arith.constant 80 : i32
    %dma_start3A_49 = tpu.memref_slice %arg8[%dma_start3A_48] : memref<20000xi32, #tpu.memory_space<vmem>> -> memref<80xi32, #tpu.memory_space<vmem>>
    %dma_start3A_50 = arith.constant 0 : i32
    %dma_start3A_51 = arith.constant 0 : i32
    %dma_start3A_52 = tpu.memref_slice %arg2[%dma_start3A_50, %dma_start3A_51] : memref<10000x64xf32, #tpu.memory_space<hbm>> -> memref<10000x64xf32, #tpu.memory_space<hbm>>
    tpu.enqueue_indirect_dma source(%dma_start3A_52 : memref<10000x64xf32, #tpu.memory_space<hbm>>) target(%arg10 : memref<80x64xf32, #tpu.memory_space<vmem>>) offsets(%dma_start3A_49 : memref<80xi32, #tpu.memory_space<vmem>>) semaphore(%arg17 : memref<!tpu.dma_semaphore, #tpu.memory_space<semaphore_mem>>)
    %dma_start3A_53 = arith.constant 160 : i32
    %dma_start3A_54 = tpu.memref_slice %arg8[%dma_start3A_53] : memref<20000xi32, #tpu.memory_space<vmem>> -> memref<80xi32, #tpu.memory_space<vmem>>
    %dma_start3A_55 = arith.constant 0 : i32
    %dma_start3A_56 = arith.constant 0 : i32
    %dma_start3A_57 = tpu.memref_slice %arg2[%dma_start3A_55, %dma_start3A_56] : memref<10000x64xf32, #tpu.memory_space<hbm>> -> memref<10000x64xf32, #tpu.memory_space<hbm>>
    tpu.enqueue_indirect_dma source(%dma_start3A_57 : memref<10000x64xf32, #tpu.memory_space<hbm>>) target(%arg11 : memref<80x64xf32, #tpu.memory_space<vmem>>) offsets(%dma_start3A_54 : memref<80xi32, #tpu.memory_space<vmem>>) semaphore(%arg18 : memref<!tpu.dma_semaphore, #tpu.memory_space<semaphore_mem>>)
    %dma_start3A_58 = arith.constant 240 : i32
    %dma_start3A_59 = tpu.memref_slice %arg8[%dma_start3A_58] : memref<20000xi32, #tpu.memory_space<vmem>> -> memref<80xi32, #tpu.memory_space<vmem>>
    %dma_start3A_60 = arith.constant 0 : i32
    %dma_start3A_61 = arith.constant 0 : i32
    %dma_start3A_62 = tpu.memref_slice %arg2[%dma_start3A_60, %dma_start3A_61] : memref<10000x64xf32, #tpu.memory_space<hbm>> -> memref<10000x64xf32, #tpu.memory_space<hbm>>
    tpu.enqueue_indirect_dma source(%dma_start3A_62 : memref<10000x64xf32, #tpu.memory_space<hbm>>) target(%arg12 : memref<80x64xf32, #tpu.memory_space<vmem>>) offsets(%dma_start3A_59 : memref<80xi32, #tpu.memory_space<vmem>>) semaphore(%arg19 : memref<!tpu.dma_semaphore, #tpu.memory_space<semaphore_mem>>)
    %dma_start3A_63 = arith.constant 320 : i32
    %dma_start3A_64 = tpu.memref_slice %arg8[%dma_start3A_63] : memref<20000xi32, #tpu.memory_space<vmem>> -> memref<80xi32, #tpu.memory_space<vmem>>
    %dma_start3A_65 = arith.constant 0 : i32
    %dma_start3A_66 = arith.constant 0 : i32
    %dma_start3A_67 = tpu.memref_slice %arg2[%dma_start3A_65, %dma_start3A_66] : memref<10000x64xf32, #tpu.memory_space<hbm>> -> memref<10000x64xf32, #tpu.memory_space<hbm>>
    tpu.enqueue_indirect_dma source(%dma_start3A_67 : memref<10000x64xf32, #tpu.memory_space<hbm>>) target(%arg13 : memref<80x64xf32, #tpu.memory_space<vmem>>) offsets(%dma_start3A_64 : memref<80xi32, #tpu.memory_space<vmem>>) semaphore(%arg20 : memref<!tpu.dma_semaphore, #tpu.memory_space<semaphore_mem>>)
    %scan3A_68 = arith.constant 0 : i32
    %scan3A_69 = arith.constant 0 : i32
    %scan3A_70 = arith.constant 50 : i32
    %scan3A_71 = arith.addi %scan3A_69, %scan3A_70 : i32
    %scan3A_72 = arith.constant 1 : i32
    scf.for %scan3A_195 = %scan3A_69 to %scan3A_71 step %scan3A_72  : i32 {
      %mul3A_196 = arith.constant 5 : i32
      %mul3A_197 = arith.muli %mul3A_196, %scan3A_195 : i32
      %add3A_198 = arith.constant 0 : i32
      %add3A_199 = arith.addi %mul3A_197, %add3A_198 : i32
      %mul3A_200 = arith.constant 80 : i32
      %mul3A_201 = arith.muli %add3A_199, %mul3A_200 : i32
      %dma_wait3A_202 = tpu.memref_slice %arg8[%mul3A_201] : memref<20000xi32, #tpu.memory_space<vmem>> -> memref<80xi32, #tpu.memory_space<vmem>>
      %dma_wait3A_203 = arith.constant 0 : i32
      %dma_wait3A_204 = arith.constant 0 : i32
      %dma_wait3A_205 = tpu.memref_slice %arg2[%dma_wait3A_203, %dma_wait3A_204] : memref<10000x64xf32, #tpu.memory_space<hbm>> -> memref<10000x64xf32, #tpu.memory_space<hbm>>
      tpu.wait_indirect_dma semaphore(%arg16 : memref<!tpu.dma_semaphore, #tpu.memory_space<semaphore_mem>>) src(%dma_wait3A_205 : memref<10000x64xf32, #tpu.memory_space<hbm>>) dst(%arg9 : memref<80x64xf32, #tpu.memory_space<vmem>>)
      %add3A_206 = arith.constant 0 : i32
      %add3A_207 = arith.addi %mul3A_197, %add3A_206 : i32
      %mul3A_208 = arith.constant 80 : i32
      %mul3A_209 = arith.muli %add3A_207, %mul3A_208 : i32
      %dma_start3A_210 = tpu.memref_slice %arg7[%mul3A_209] : memref<20000xi32, #tpu.memory_space<vmem>> -> memref<80xi32, #tpu.memory_space<vmem>>
      %dma_start3A_211 = arith.constant 0 : i32
      %dma_start3A_212 = arith.constant 0 : i32
      %dma_start3A_213 = tpu.memref_slice %arg15[%dma_start3A_211, %dma_start3A_212] : memref<10000x64xf32, #tpu.memory_space<vmem_shared>> -> memref<10000x64xf32, #tpu.memory_space<vmem_shared>>
      tpu.enqueue_indirect_dma source(%arg9 : memref<80x64xf32, #tpu.memory_space<vmem>>) target(%dma_start3A_213 : memref<10000x64xf32, #tpu.memory_space<vmem_shared>>) offsets(%dma_start3A_210 : memref<80xi32, #tpu.memory_space<vmem>>) semaphore(%arg21 : memref<!tpu.dma_semaphore, #tpu.memory_space<semaphore_mem>>) {add = true}
      %add3A_214 = arith.constant 1 : i32
      %add3A_215 = arith.addi %mul3A_197, %add3A_214 : i32
      %mul3A_216 = arith.constant 80 : i32
      %mul3A_217 = arith.muli %add3A_215, %mul3A_216 : i32
      %dma_wait3A_218 = tpu.memref_slice %arg8[%mul3A_217] : memref<20000xi32, #tpu.memory_space<vmem>> -> memref<80xi32, #tpu.memory_space<vmem>>
      %dma_wait3A_219 = arith.constant 0 : i32
      %dma_wait3A_220 = arith.constant 0 : i32
      %dma_wait3A_221 = tpu.memref_slice %arg2[%dma_wait3A_219, %dma_wait3A_220] : memref<10000x64xf32, #tpu.memory_space<hbm>> -> memref<10000x64xf32, #tpu.memory_space<hbm>>
      tpu.wait_indirect_dma semaphore(%arg17 : memref<!tpu.dma_semaphore, #tpu.memory_space<semaphore_mem>>) src(%dma_wait3A_221 : memref<10000x64xf32, #tpu.memory_space<hbm>>) dst(%arg10 : memref<80x64xf32, #tpu.memory_space<vmem>>)
      %add3A_222 = arith.constant 1 : i32
      %add3A_223 = arith.addi %mul3A_197, %add3A_222 : i32
      %mul3A_224 = arith.constant 80 : i32
      %mul3A_225 = arith.muli %add3A_223, %mul3A_224 : i32
      %dma_start3A_226 = tpu.memref_slice %arg7[%mul3A_225] : memref<20000xi32, #tpu.memory_space<vmem>> -> memref<80xi32, #tpu.memory_space<vmem>>
      %dma_start3A_227 = arith.constant 0 : i32
      %dma_start3A_228 = arith.constant 0 : i32
      %dma_start3A_229 = tpu.memref_slice %arg15[%dma_start3A_227, %dma_start3A_228] : memref<10000x64xf32, #tpu.memory_space<vmem_shared>> -> memref<10000x64xf32, #tpu.memory_space<vmem_shared>>
      tpu.enqueue_indirect_dma source(%arg10 : memref<80x64xf32, #tpu.memory_space<vmem>>) target(%dma_start3A_229 : memref<10000x64xf32, #tpu.memory_space<vmem_shared>>) offsets(%dma_start3A_226 : memref<80xi32, #tpu.memory_space<vmem>>) semaphore(%arg22 : memref<!tpu.dma_semaphore, #tpu.memory_space<semaphore_mem>>) {add = true}
      %add3A_230 = arith.constant 2 : i32
      %add3A_231 = arith.addi %mul3A_197, %add3A_230 : i32
      %mul3A_232 = arith.constant 80 : i32
      %mul3A_233 = arith.muli %add3A_231, %mul3A_232 : i32
      %dma_wait3A_234 = tpu.memref_slice %arg8[%mul3A_233] : memref<20000xi32, #tpu.memory_space<vmem>> -> memref<80xi32, #tpu.memory_space<vmem>>
      %dma_wait3A_235 = arith.constant 0 : i32
      %dma_wait3A_236 = arith.constant 0 : i32
      %dma_wait3A_237 = tpu.memref_slice %arg2[%dma_wait3A_235, %dma_wait3A_236] : memref<10000x64xf32, #tpu.memory_space<hbm>> -> memref<10000x64xf32, #tpu.memory_space<hbm>>
      tpu.wait_indirect_dma semaphore(%arg18 : memref<!tpu.dma_semaphore, #tpu.memory_space<semaphore_mem>>) src(%dma_wait3A_237 : memref<10000x64xf32, #tpu.memory_space<hbm>>) dst(%arg11 : memref<80x64xf32, #tpu.memory_space<vmem>>)
      %add3A_238 = arith.constant 2 : i32
      %add3A_239 = arith.addi %mul3A_197, %add3A_238 : i32
      %mul3A_240 = arith.constant 80 : i32
      %mul3A_241 = arith.muli %add3A_239, %mul3A_240 : i32
      %dma_start3A_242 = tpu.memref_slice %arg7[%mul3A_241] : memref<20000xi32, #tpu.memory_space<vmem>> -> memref<80xi32, #tpu.memory_space<vmem>>
      %dma_start3A_243 = arith.constant 0 : i32
      %dma_start3A_244 = arith.constant 0 : i32
      %dma_start3A_245 = tpu.memref_slice %arg15[%dma_start3A_243, %dma_start3A_244] : memref<10000x64xf32, #tpu.memory_space<vmem_shared>> -> memref<10000x64xf32, #tpu.memory_space<vmem_shared>>
      tpu.enqueue_indirect_dma source(%arg11 : memref<80x64xf32, #tpu.memory_space<vmem>>) target(%dma_start3A_245 : memref<10000x64xf32, #tpu.memory_space<vmem_shared>>) offsets(%dma_start3A_242 : memref<80xi32, #tpu.memory_space<vmem>>) semaphore(%arg23 : memref<!tpu.dma_semaphore, #tpu.memory_space<semaphore_mem>>) {add = true}
      %add3A_246 = arith.constant 3 : i32
      %add3A_247 = arith.addi %mul3A_197, %add3A_246 : i32
      %mul3A_248 = arith.constant 80 : i32
      %mul3A_249 = arith.muli %add3A_247, %mul3A_248 : i32
      %dma_wait3A_250 = tpu.memref_slice %arg8[%mul3A_249] : memref<20000xi32, #tpu.memory_space<vmem>> -> memref<80xi32, #tpu.memory_space<vmem>>
      %dma_wait3A_251 = arith.constant 0 : i32
      %dma_wait3A_252 = arith.constant 0 : i32
      %dma_wait3A_253 = tpu.memref_slice %arg2[%dma_wait3A_251, %dma_wait3A_252] : memref<10000x64xf32, #tpu.memory_space<hbm>> -> memref<10000x64xf32, #tpu.memory_space<hbm>>
      tpu.wait_indirect_dma semaphore(%arg19 : memref<!tpu.dma_semaphore, #tpu.memory_space<semaphore_mem>>) src(%dma_wait3A_253 : memref<10000x64xf32, #tpu.memory_space<hbm>>) dst(%arg12 : memref<80x64xf32, #tpu.memory_space<vmem>>)
      %add3A_254 = arith.constant 3 : i32
      %add3A_255 = arith.addi %mul3A_197, %add3A_254 : i32
      %mul3A_256 = arith.constant 80 : i32
      %mul3A_257 = arith.muli %add3A_255, %mul3A_256 : i32
      %dma_start3A_258 = tpu.memref_slice %arg7[%mul3A_257] : memref<20000xi32, #tpu.memory_space<vmem>> -> memref<80xi32, #tpu.memory_space<vmem>>
      %dma_start3A_259 = arith.constant 0 : i32
      %dma_start3A_260 = arith.constant 0 : i32
      %dma_start3A_261 = tpu.memref_slice %arg15[%dma_start3A_259, %dma_start3A_260] : memref<10000x64xf32, #tpu.memory_space<vmem_shared>> -> memref<10000x64xf32, #tpu.memory_space<vmem_shared>>
      tpu.enqueue_indirect_dma source(%arg12 : memref<80x64xf32, #tpu.memory_space<vmem>>) target(%dma_start3A_261 : memref<10000x64xf32, #tpu.memory_space<vmem_shared>>) offsets(%dma_start3A_258 : memref<80xi32, #tpu.memory_space<vmem>>) semaphore(%arg24 : memref<!tpu.dma_semaphore, #tpu.memory_space<semaphore_mem>>) {add = true}
      %add3A_262 = arith.constant 4 : i32
      %add3A_263 = arith.addi %mul3A_197, %add3A_262 : i32
      %mul3A_264 = arith.constant 80 : i32
      %mul3A_265 = arith.muli %add3A_263, %mul3A_264 : i32
      %dma_wait3A_266 = tpu.memref_slice %arg8[%mul3A_265] : memref<20000xi32, #tpu.memory_space<vmem>> -> memref<80xi32, #tpu.memory_space<vmem>>
      %dma_wait3A_267 = arith.constant 0 : i32
      %dma_wait3A_268 = arith.constant 0 : i32
      %dma_wait3A_269 = tpu.memref_slice %arg2[%dma_wait3A_267, %dma_wait3A_268] : memref<10000x64xf32, #tpu.memory_space<hbm>> -> memref<10000x64xf32, #tpu.memory_space<hbm>>
      tpu.wait_indirect_dma semaphore(%arg20 : memref<!tpu.dma_semaphore, #tpu.memory_space<semaphore_mem>>) src(%dma_wait3A_269 : memref<10000x64xf32, #tpu.memory_space<hbm>>) dst(%arg13 : memref<80x64xf32, #tpu.memory_space<vmem>>)
      %add3A_270 = arith.constant 4 : i32
      %add3A_271 = arith.addi %mul3A_197, %add3A_270 : i32
      %mul3A_272 = arith.constant 80 : i32
      %mul3A_273 = arith.muli %add3A_271, %mul3A_272 : i32
      %dma_start3A_274 = tpu.memref_slice %arg7[%mul3A_273] : memref<20000xi32, #tpu.memory_space<vmem>> -> memref<80xi32, #tpu.memory_space<vmem>>
      %dma_start3A_275 = arith.constant 0 : i32
      %dma_start3A_276 = arith.constant 0 : i32
      %dma_start3A_277 = tpu.memref_slice %arg15[%dma_start3A_275, %dma_start3A_276] : memref<10000x64xf32, #tpu.memory_space<vmem_shared>> -> memref<10000x64xf32, #tpu.memory_space<vmem_shared>>
      tpu.enqueue_indirect_dma source(%arg13 : memref<80x64xf32, #tpu.memory_space<vmem>>) target(%dma_start3A_277 : memref<10000x64xf32, #tpu.memory_space<vmem_shared>>) offsets(%dma_start3A_274 : memref<80xi32, #tpu.memory_space<vmem>>) semaphore(%arg25 : memref<!tpu.dma_semaphore, #tpu.memory_space<semaphore_mem>>) {add = true}
      %lt3A = arith.constant 49 : i32
      %lt3A_278 = arith.cmpi slt, %scan3A_195, %lt3A : i32
      %convert_element_type3A_279 = arith.extui %lt3A_278 : i1 to i32
      %cond3A_280 = arith.constant 0 : i32
      %cond3A_281 = arith.cmpi ne, %convert_element_type3A_279, %cond3A_280 : i32
      scf.if %cond3A_281 {
        %add3A_302 = arith.constant 0 : i32
        %add3A_303 = arith.addi %mul3A_197, %add3A_302 : i32
        %mul3A_304 = arith.constant 80 : i32
        %mul3A_305 = arith.muli %add3A_303, %mul3A_304 : i32
        %dma_wait3A_306 = tpu.memref_slice %arg7[%mul3A_305] : memref<20000xi32, #tpu.memory_space<vmem>> -> memref<80xi32, #tpu.memory_space<vmem>>
        %dma_wait3A_307 = arith.constant 0 : i32
        %dma_wait3A_308 = arith.constant 0 : i32
        %dma_wait3A_309 = tpu.memref_slice %arg15[%dma_wait3A_307, %dma_wait3A_308] : memref<10000x64xf32, #tpu.memory_space<vmem_shared>> -> memref<10000x64xf32, #tpu.memory_space<vmem_shared>>
        tpu.wait_indirect_dma semaphore(%arg21 : memref<!tpu.dma_semaphore, #tpu.memory_space<semaphore_mem>>) src(%arg9 : memref<80x64xf32, #tpu.memory_space<vmem>>) dst(%dma_wait3A_309 : memref<10000x64xf32, #tpu.memory_space<vmem_shared>>)
        %add3A_310 = arith.constant 5 : i32
        %add3A_311 = arith.addi %mul3A_197, %add3A_310 : i32
        %add3A_312 = arith.constant 0 : i32
        %add3A_313 = arith.addi %add3A_311, %add3A_312 : i32
        %mul3A_314 = arith.constant 80 : i32
        %mul3A_315 = arith.muli %add3A_313, %mul3A_314 : i32
        %dma_start3A_316 = tpu.memref_slice %arg8[%mul3A_315] : memref<20000xi32, #tpu.memory_space<vmem>> -> memref<80xi32, #tpu.memory_space<vmem>>
        %dma_start3A_317 = arith.constant 0 : i32
        %dma_start3A_318 = arith.constant 0 : i32
        %dma_start3A_319 = tpu.memref_slice %arg2[%dma_start3A_317, %dma_start3A_318] : memref<10000x64xf32, #tpu.memory_space<hbm>> -> memref<10000x64xf32, #tpu.memory_space<hbm>>
        tpu.enqueue_indirect_dma source(%dma_start3A_319 : memref<10000x64xf32, #tpu.memory_space<hbm>>) target(%arg9 : memref<80x64xf32, #tpu.memory_space<vmem>>) offsets(%dma_start3A_316 : memref<80xi32, #tpu.memory_space<vmem>>) semaphore(%arg16 : memref<!tpu.dma_semaphore, #tpu.memory_space<semaphore_mem>>)
      } else {
      }
      %lt3A_282 = arith.constant 49 : i32
      %lt3A_283 = arith.cmpi slt, %scan3A_195, %lt3A_282 : i32
      %convert_element_type3A_284 = arith.extui %lt3A_283 : i1 to i32
      %cond3A_285 = arith.constant 0 : i32
      %cond3A_286 = arith.cmpi ne, %convert_element_type3A_284, %cond3A_285 : i32
      scf.if %cond3A_286 {
        %add3A_302 = arith.constant 1 : i32
        %add3A_303 = arith.addi %mul3A_197, %add3A_302 : i32
        %mul3A_304 = arith.constant 80 : i32
        %mul3A_305 = arith.muli %add3A_303, %mul3A_304 : i32
        %dma_wait3A_306 = tpu.memref_slice %arg7[%mul3A_305] : memref<20000xi32, #tpu.memory_space<vmem>> -> memref<80xi32, #tpu.memory_space<vmem>>
        %dma_wait3A_307 = arith.constant 0 : i32
        %dma_wait3A_308 = arith.constant 0 : i32
        %dma_wait3A_309 = tpu.memref_slice %arg15[%dma_wait3A_307, %dma_wait3A_308] : memref<10000x64xf32, #tpu.memory_space<vmem_shared>> -> memref<10000x64xf32, #tpu.memory_space<vmem_shared>>
        tpu.wait_indirect_dma semaphore(%arg22 : memref<!tpu.dma_semaphore, #tpu.memory_space<semaphore_mem>>) src(%arg10 : memref<80x64xf32, #tpu.memory_space<vmem>>) dst(%dma_wait3A_309 : memref<10000x64xf32, #tpu.memory_space<vmem_shared>>)
        %add3A_310 = arith.constant 5 : i32
        %add3A_311 = arith.addi %mul3A_197, %add3A_310 : i32
        %add3A_312 = arith.constant 1 : i32
        %add3A_313 = arith.addi %add3A_311, %add3A_312 : i32
        %mul3A_314 = arith.constant 80 : i32
        %mul3A_315 = arith.muli %add3A_313, %mul3A_314 : i32
        %dma_start3A_316 = tpu.memref_slice %arg8[%mul3A_315] : memref<20000xi32, #tpu.memory_space<vmem>> -> memref<80xi32, #tpu.memory_space<vmem>>
        %dma_start3A_317 = arith.constant 0 : i32
        %dma_start3A_318 = arith.constant 0 : i32
        %dma_start3A_319 = tpu.memref_slice %arg2[%dma_start3A_317, %dma_start3A_318] : memref<10000x64xf32, #tpu.memory_space<hbm>> -> memref<10000x64xf32, #tpu.memory_space<hbm>>
        tpu.enqueue_indirect_dma source(%dma_start3A_319 : memref<10000x64xf32, #tpu.memory_space<hbm>>) target(%arg10 : memref<80x64xf32, #tpu.memory_space<vmem>>) offsets(%dma_start3A_316 : memref<80xi32, #tpu.memory_space<vmem>>) semaphore(%arg17 : memref<!tpu.dma_semaphore, #tpu.memory_space<semaphore_mem>>)
      } else {
      }
      %lt3A_287 = arith.constant 49 : i32
      %lt3A_288 = arith.cmpi slt, %scan3A_195, %lt3A_287 : i32
      %convert_element_type3A_289 = arith.extui %lt3A_288 : i1 to i32
      %cond3A_290 = arith.constant 0 : i32
      %cond3A_291 = arith.cmpi ne, %convert_element_type3A_289, %cond3A_290 : i32
      scf.if %cond3A_291 {
        %add3A_302 = arith.constant 2 : i32
        %add3A_303 = arith.addi %mul3A_197, %add3A_302 : i32
        %mul3A_304 = arith.constant 80 : i32
        %mul3A_305 = arith.muli %add3A_303, %mul3A_304 : i32
        %dma_wait3A_306 = tpu.memref_slice %arg7[%mul3A_305] : memref<20000xi32, #tpu.memory_space<vmem>> -> memref<80xi32, #tpu.memory_space<vmem>>
        %dma_wait3A_307 = arith.constant 0 : i32
        %dma_wait3A_308 = arith.constant 0 : i32
        %dma_wait3A_309 = tpu.memref_slice %arg15[%dma_wait3A_307, %dma_wait3A_308] : memref<10000x64xf32, #tpu.memory_space<vmem_shared>> -> memref<10000x64xf32, #tpu.memory_space<vmem_shared>>
        tpu.wait_indirect_dma semaphore(%arg23 : memref<!tpu.dma_semaphore, #tpu.memory_space<semaphore_mem>>) src(%arg11 : memref<80x64xf32, #tpu.memory_space<vmem>>) dst(%dma_wait3A_309 : memref<10000x64xf32, #tpu.memory_space<vmem_shared>>)
        %add3A_310 = arith.constant 5 : i32
        %add3A_311 = arith.addi %mul3A_197, %add3A_310 : i32
        %add3A_312 = arith.constant 2 : i32
        %add3A_313 = arith.addi %add3A_311, %add3A_312 : i32
        %mul3A_314 = arith.constant 80 : i32
        %mul3A_315 = arith.muli %add3A_313, %mul3A_314 : i32
        %dma_start3A_316 = tpu.memref_slice %arg8[%mul3A_315] : memref<20000xi32, #tpu.memory_space<vmem>> -> memref<80xi32, #tpu.memory_space<vmem>>
        %dma_start3A_317 = arith.constant 0 : i32
        %dma_start3A_318 = arith.constant 0 : i32
        %dma_start3A_319 = tpu.memref_slice %arg2[%dma_start3A_317, %dma_start3A_318] : memref<10000x64xf32, #tpu.memory_space<hbm>> -> memref<10000x64xf32, #tpu.memory_space<hbm>>
        tpu.enqueue_indirect_dma source(%dma_start3A_319 : memref<10000x64xf32, #tpu.memory_space<hbm>>) target(%arg11 : memref<80x64xf32, #tpu.memory_space<vmem>>) offsets(%dma_start3A_316 : memref<80xi32, #tpu.memory_space<vmem>>) semaphore(%arg18 : memref<!tpu.dma_semaphore, #tpu.memory_space<semaphore_mem>>)
      } else {
      }
      %lt3A_292 = arith.constant 49 : i32
      %lt3A_293 = arith.cmpi slt, %scan3A_195, %lt3A_292 : i32
      %convert_element_type3A_294 = arith.extui %lt3A_293 : i1 to i32
      %cond3A_295 = arith.constant 0 : i32
      %cond3A_296 = arith.cmpi ne, %convert_element_type3A_294, %cond3A_295 : i32
      scf.if %cond3A_296 {
        %add3A_302 = arith.constant 3 : i32
        %add3A_303 = arith.addi %mul3A_197, %add3A_302 : i32
        %mul3A_304 = arith.constant 80 : i32
        %mul3A_305 = arith.muli %add3A_303, %mul3A_304 : i32
        %dma_wait3A_306 = tpu.memref_slice %arg7[%mul3A_305] : memref<20000xi32, #tpu.memory_space<vmem>> -> memref<80xi32, #tpu.memory_space<vmem>>
        %dma_wait3A_307 = arith.constant 0 : i32
        %dma_wait3A_308 = arith.constant 0 : i32
        %dma_wait3A_309 = tpu.memref_slice %arg15[%dma_wait3A_307, %dma_wait3A_308] : memref<10000x64xf32, #tpu.memory_space<vmem_shared>> -> memref<10000x64xf32, #tpu.memory_space<vmem_shared>>
        tpu.wait_indirect_dma semaphore(%arg24 : memref<!tpu.dma_semaphore, #tpu.memory_space<semaphore_mem>>) src(%arg12 : memref<80x64xf32, #tpu.memory_space<vmem>>) dst(%dma_wait3A_309 : memref<10000x64xf32, #tpu.memory_space<vmem_shared>>)
        %add3A_310 = arith.constant 5 : i32
        %add3A_311 = arith.addi %mul3A_197, %add3A_310 : i32
        %add3A_312 = arith.constant 3 : i32
        %add3A_313 = arith.addi %add3A_311, %add3A_312 : i32
        %mul3A_314 = arith.constant 80 : i32
        %mul3A_315 = arith.muli %add3A_313, %mul3A_314 : i32
        %dma_start3A_316 = tpu.memref_slice %arg8[%mul3A_315] : memref<20000xi32, #tpu.memory_space<vmem>> -> memref<80xi32, #tpu.memory_space<vmem>>
        %dma_start3A_317 = arith.constant 0 : i32
        %dma_start3A_318 = arith.constant 0 : i32
        %dma_start3A_319 = tpu.memref_slice %arg2[%dma_start3A_317, %dma_start3A_318] : memref<10000x64xf32, #tpu.memory_space<hbm>> -> memref<10000x64xf32, #tpu.memory_space<hbm>>
        tpu.enqueue_indirect_dma source(%dma_start3A_319 : memref<10000x64xf32, #tpu.memory_space<hbm>>) target(%arg12 : memref<80x64xf32, #tpu.memory_space<vmem>>) offsets(%dma_start3A_316 : memref<80xi32, #tpu.memory_space<vmem>>) semaphore(%arg19 : memref<!tpu.dma_semaphore, #tpu.memory_space<semaphore_mem>>)
      } else {
      }
      %lt3A_297 = arith.constant 49 : i32
      %lt3A_298 = arith.cmpi slt, %scan3A_195, %lt3A_297 : i32
      %convert_element_type3A_299 = arith.extui %lt3A_298 : i1 to i32
      %cond3A_300 = arith.constant 0 : i32
      %cond3A_301 = arith.cmpi ne, %convert_element_type3A_299, %cond3A_300 : i32
      scf.if %cond3A_301 {
        %add3A_302 = arith.constant 4 : i32
        %add3A_303 = arith.addi %mul3A_197, %add3A_302 : i32
        %mul3A_304 = arith.constant 80 : i32
        %mul3A_305 = arith.muli %add3A_303, %mul3A_304 : i32
        %dma_wait3A_306 = tpu.memref_slice %arg7[%mul3A_305] : memref<20000xi32, #tpu.memory_space<vmem>> -> memref<80xi32, #tpu.memory_space<vmem>>
        %dma_wait3A_307 = arith.constant 0 : i32
        %dma_wait3A_308 = arith.constant 0 : i32
        %dma_wait3A_309 = tpu.memref_slice %arg15[%dma_wait3A_307, %dma_wait3A_308] : memref<10000x64xf32, #tpu.memory_space<vmem_shared>> -> memref<10000x64xf32, #tpu.memory_space<vmem_shared>>
        tpu.wait_indirect_dma semaphore(%arg25 : memref<!tpu.dma_semaphore, #tpu.memory_space<semaphore_mem>>) src(%arg13 : memref<80x64xf32, #tpu.memory_space<vmem>>) dst(%dma_wait3A_309 : memref<10000x64xf32, #tpu.memory_space<vmem_shared>>)
        %add3A_310 = arith.constant 5 : i32
        %add3A_311 = arith.addi %mul3A_197, %add3A_310 : i32
        %add3A_312 = arith.constant 4 : i32
        %add3A_313 = arith.addi %add3A_311, %add3A_312 : i32
        %mul3A_314 = arith.constant 80 : i32
        %mul3A_315 = arith.muli %add3A_313, %mul3A_314 : i32
        %dma_start3A_316 = tpu.memref_slice %arg8[%mul3A_315] : memref<20000xi32, #tpu.memory_space<vmem>> -> memref<80xi32, #tpu.memory_space<vmem>>
        %dma_start3A_317 = arith.constant 0 : i32
        %dma_start3A_318 = arith.constant 0 : i32
        %dma_start3A_319 = tpu.memref_slice %arg2[%dma_start3A_317, %dma_start3A_318] : memref<10000x64xf32, #tpu.memory_space<hbm>> -> memref<10000x64xf32, #tpu.memory_space<hbm>>
        tpu.enqueue_indirect_dma source(%dma_start3A_319 : memref<10000x64xf32, #tpu.memory_space<hbm>>) target(%arg13 : memref<80x64xf32, #tpu.memory_space<vmem>>) offsets(%dma_start3A_316 : memref<80xi32, #tpu.memory_space<vmem>>) semaphore(%arg20 : memref<!tpu.dma_semaphore, #tpu.memory_space<semaphore_mem>>)
      } else {
      }
    }
    %scan3A_73 = arith.constant 50 : i32
    %dma_wait3A_74 = arith.constant 19600 : i32
    %dma_wait3A_75 = tpu.memref_slice %arg7[%dma_wait3A_74] : memref<20000xi32, #tpu.memory_space<vmem>> -> memref<80xi32, #tpu.memory_space<vmem>>
    %dma_wait3A_76 = arith.constant 0 : i32
    %dma_wait3A_77 = arith.constant 0 : i32
    %dma_wait3A_78 = tpu.memref_slice %arg15[%dma_wait3A_76, %dma_wait3A_77] : memref<10000x64xf32, #tpu.memory_space<vmem_shared>> -> memref<10000x64xf32, #tpu.memory_space<vmem_shared>>
    tpu.wait_indirect_dma semaphore(%arg21 : memref<!tpu.dma_semaphore, #tpu.memory_space<semaphore_mem>>) src(%arg9 : memref<80x64xf32, #tpu.memory_space<vmem>>) dst(%dma_wait3A_78 : memref<10000x64xf32, #tpu.memory_space<vmem_shared>>)
    %dma_wait3A_79 = arith.constant 19680 : i32
    %dma_wait3A_80 = tpu.memref_slice %arg7[%dma_wait3A_79] : memref<20000xi32, #tpu.memory_space<vmem>> -> memref<80xi32, #tpu.memory_space<vmem>>
    %dma_wait3A_81 = arith.constant 0 : i32
    %dma_wait3A_82 = arith.constant 0 : i32
    %dma_wait3A_83 = tpu.memref_slice %arg15[%dma_wait3A_81, %dma_wait3A_82] : memref<10000x64xf32, #tpu.memory_space<vmem_shared>> -> memref<10000x64xf32, #tpu.memory_space<vmem_shared>>
    tpu.wait_indirect_dma semaphore(%arg22 : memref<!tpu.dma_semaphore, #tpu.memory_space<semaphore_mem>>) src(%arg10 : memref<80x64xf32, #tpu.memory_space<vmem>>) dst(%dma_wait3A_83 : memref<10000x64xf32, #tpu.memory_space<vmem_shared>>)
    %dma_wait3A_84 = arith.constant 19760 : i32
    %dma_wait3A_85 = tpu.memref_slice %arg7[%dma_wait3A_84] : memref<20000xi32, #tpu.memory_space<vmem>> -> memref<80xi32, #tpu.memory_space<vmem>>
    %dma_wait3A_86 = arith.constant 0 : i32
    %dma_wait3A_87 = arith.constant 0 : i32
    %dma_wait3A_88 = tpu.memref_slice %arg15[%dma_wait3A_86, %dma_wait3A_87] : memref<10000x64xf32, #tpu.memory_space<vmem_shared>> -> memref<10000x64xf32, #tpu.memory_space<vmem_shared>>
    tpu.wait_indirect_dma semaphore(%arg23 : memref<!tpu.dma_semaphore, #tpu.memory_space<semaphore_mem>>) src(%arg11 : memref<80x64xf32, #tpu.memory_space<vmem>>) dst(%dma_wait3A_88 : memref<10000x64xf32, #tpu.memory_space<vmem_shared>>)
    %dma_wait3A_89 = arith.constant 19840 : i32
    %dma_wait3A_90 = tpu.memref_slice %arg7[%dma_wait3A_89] : memref<20000xi32, #tpu.memory_space<vmem>> -> memref<80xi32, #tpu.memory_space<vmem>>
    %dma_wait3A_91 = arith.constant 0 : i32
    %dma_wait3A_92 = arith.constant 0 : i32
    %dma_wait3A_93 = tpu.memref_slice %arg15[%dma_wait3A_91, %dma_wait3A_92] : memref<10000x64xf32, #tpu.memory_space<vmem_shared>> -> memref<10000x64xf32, #tpu.memory_space<vmem_shared>>
    tpu.wait_indirect_dma semaphore(%arg24 : memref<!tpu.dma_semaphore, #tpu.memory_space<semaphore_mem>>) src(%arg12 : memref<80x64xf32, #tpu.memory_space<vmem>>) dst(%dma_wait3A_93 : memref<10000x64xf32, #tpu.memory_space<vmem_shared>>)
    %dma_wait3A_94 = arith.constant 19920 : i32
    %dma_wait3A_95 = tpu.memref_slice %arg7[%dma_wait3A_94] : memref<20000xi32, #tpu.memory_space<vmem>> -> memref<80xi32, #tpu.memory_space<vmem>>
    %dma_wait3A_96 = arith.constant 0 : i32
    %dma_wait3A_97 = arith.constant 0 : i32
    %dma_wait3A_98 = tpu.memref_slice %arg15[%dma_wait3A_96, %dma_wait3A_97] : memref<10000x64xf32, #tpu.memory_space<vmem_shared>> -> memref<10000x64xf32, #tpu.memory_space<vmem_shared>>
    tpu.wait_indirect_dma semaphore(%arg25 : memref<!tpu.dma_semaphore, #tpu.memory_space<semaphore_mem>>) src(%arg13 : memref<80x64xf32, #tpu.memory_space<vmem>>) dst(%dma_wait3A_98 : memref<10000x64xf32, #tpu.memory_space<vmem_shared>>)
    %barrier3A_99 = arith.constant 0 : index
    tpu.barrier barrier_id(%barrier3A_99)
    %mul3A_100 = arith.constant 624 : i32
    %mul3A_101 = arith.muli %arg1, %mul3A_100 : i32
    %mul3A_102 = arith.constant 624 : i32
    %mul3A_103 = arith.muli %arg1, %mul3A_102 : i32
    %mul3A_104 = arith.constant 128 : i32
    %mul3A_105 = arith.muli %arg0, %mul3A_104 : i32
    %add3A_106 = arith.constant 0 : i32
    %add3A_107 = arith.addi %mul3A_105, %add3A_106 : i32
    "tpu.region"() ({
      %run_scoped3A = tpu.sem_alloc : memref<!tpu.dma_semaphore, #tpu.memory_space<semaphore_mem>>
      %dma_start3A_195 = tpu.memref_slice %arg6[%mul3A_103, %add3A_107] : memref<10000x256xf32, #tpu.memory_space<hbm>> -> memref<640x64xf32, #tpu.memory_space<hbm>>
      %dma_start3A_196 = arith.constant 0 : i32
      %dma_start3A_197 = tpu.memref_slice %arg15[%mul3A_101, %dma_start3A_196] : memref<10000x64xf32, #tpu.memory_space<vmem_shared>> -> memref<640x64xf32, #tpu.memory_space<vmem_shared>>
      tpu.enqueue_dma source(%dma_start3A_197 : memref<640x64xf32, #tpu.memory_space<vmem_shared>>) target(%dma_start3A_195 : memref<640x64xf32, #tpu.memory_space<hbm>>) target_semaphore(%run_scoped3A : memref<!tpu.dma_semaphore, #tpu.memory_space<semaphore_mem>>)
      %dma_wait3A_198 = tpu.memref_slice %arg6[%mul3A_103, %add3A_107] : memref<10000x256xf32, #tpu.memory_space<hbm>> -> memref<640x64xf32, #tpu.memory_space<hbm>>
      %dma_wait3A_199 = arith.constant 0 : i32
      %dma_wait3A_200 = tpu.memref_slice %arg15[%mul3A_101, %dma_wait3A_199] : memref<10000x64xf32, #tpu.memory_space<vmem_shared>> -> memref<640x64xf32, #tpu.memory_space<vmem_shared>>
      tpu.wait_dma2 semaphore(%run_scoped3A : memref<!tpu.dma_semaphore, #tpu.memory_space<semaphore_mem>>) src(%dma_wait3A_200 : memref<640x64xf32, #tpu.memory_space<vmem_shared>>) dst(%dma_wait3A_198 : memref<640x64xf32, #tpu.memory_space<hbm>>)
      tpu.yield
    }) : () -> ()
    %barrier3A_108 = arith.constant 0 : index
    tpu.barrier barrier_id(%barrier3A_108)
    %mul3A_109 = arith.constant 624 : i32
    %mul3A_110 = arith.muli %arg1, %mul3A_109 : i32
    %add3A_111 = arith.constant 0 : i32
    %add3A_112 = arith.addi %mul3A_110, %add3A_111 : i32
    "tpu.region"() ({
      %run_scoped3A = tpu.sem_alloc : memref<!tpu.dma_semaphore, #tpu.memory_space<semaphore_mem>>
      %dma_start3A_195 = arith.constant 0 : i32
      %dma_start3A_196 = tpu.memref_slice %arg15[%add3A_112, %dma_start3A_195] : memref<10000x64xf32, #tpu.memory_space<vmem_shared>> -> memref<128x64xf32, #tpu.memory_space<vmem_shared>>
      %dma_start3A_197 = arith.constant 0 : i32
      %dma_start3A_198 = tpu.memref_slice %arg15[%add3A_112, %dma_start3A_197] : memref<10000x64xf32, #tpu.memory_space<vmem_shared>> -> memref<128x64xf32, #tpu.memory_space<vmem_shared>>
      tpu.enqueue_dma source(%arg14 : memref<128x64xf32, #tpu.memory_space<vmem>>) target(%dma_start3A_198 : memref<128x64xf32, #tpu.memory_space<vmem_shared>>) target_semaphore(%run_scoped3A : memref<!tpu.dma_semaphore, #tpu.memory_space<semaphore_mem>>)
      %dma_wait3A_199 = arith.constant 0 : i32
      %dma_wait3A_200 = tpu.memref_slice %arg15[%add3A_112, %dma_wait3A_199] : memref<10000x64xf32, #tpu.memory_space<vmem_shared>> -> memref<128x64xf32, #tpu.memory_space<vmem_shared>>
      %dma_wait3A_201 = arith.constant 0 : i32
      %dma_wait3A_202 = tpu.memref_slice %arg15[%add3A_112, %dma_wait3A_201] : memref<10000x64xf32, #tpu.memory_space<vmem_shared>> -> memref<128x64xf32, #tpu.memory_space<vmem_shared>>
      tpu.wait_dma2 semaphore(%run_scoped3A : memref<!tpu.dma_semaphore, #tpu.memory_space<semaphore_mem>>) src(%arg14 : memref<128x64xf32, #tpu.memory_space<vmem>>) dst(%dma_wait3A_202 : memref<128x64xf32, #tpu.memory_space<vmem_shared>>)
      tpu.yield
    }) : () -> ()
    %mul3A_113 = arith.constant 624 : i32
    %mul3A_114 = arith.muli %arg1, %mul3A_113 : i32
    %add3A_115 = arith.constant 128 : i32
    %add3A_116 = arith.addi %mul3A_114, %add3A_115 : i32
    "tpu.region"() ({
      %run_scoped3A = tpu.sem_alloc : memref<!tpu.dma_semaphore, #tpu.memory_space<semaphore_mem>>
      %dma_start3A_195 = arith.constant 0 : i32
      %dma_start3A_196 = tpu.memref_slice %arg15[%add3A_116, %dma_start3A_195] : memref<10000x64xf32, #tpu.memory_space<vmem_shared>> -> memref<128x64xf32, #tpu.memory_space<vmem_shared>>
      %dma_start3A_197 = arith.constant 0 : i32
      %dma_start3A_198 = tpu.memref_slice %arg15[%add3A_116, %dma_start3A_197] : memref<10000x64xf32, #tpu.memory_space<vmem_shared>> -> memref<128x64xf32, #tpu.memory_space<vmem_shared>>
      tpu.enqueue_dma source(%arg14 : memref<128x64xf32, #tpu.memory_space<vmem>>) target(%dma_start3A_198 : memref<128x64xf32, #tpu.memory_space<vmem_shared>>) target_semaphore(%run_scoped3A : memref<!tpu.dma_semaphore, #tpu.memory_space<semaphore_mem>>)
      %dma_wait3A_199 = arith.constant 0 : i32
      %dma_wait3A_200 = tpu.memref_slice %arg15[%add3A_116, %dma_wait3A_199] : memref<10000x64xf32, #tpu.memory_space<vmem_shared>> -> memref<128x64xf32, #tpu.memory_space<vmem_shared>>
      %dma_wait3A_201 = arith.constant 0 : i32
      %dma_wait3A_202 = tpu.memref_slice %arg15[%add3A_116, %dma_wait3A_201] : memref<10000x64xf32, #tpu.memory_space<vmem_shared>> -> memref<128x64xf32, #tpu.memory_space<vmem_shared>>
      tpu.wait_dma2 semaphore(%run_scoped3A : memref<!tpu.dma_semaphore, #tpu.memory_space<semaphore_mem>>) src(%arg14 : memref<128x64xf32, #tpu.memory_space<vmem>>) dst(%dma_wait3A_202 : memref<128x64xf32, #tpu.memory_space<vmem_shared>>)
      tpu.yield
    }) : () -> ()
    %mul3A_117 = arith.constant 624 : i32
    %mul3A_118 = arith.muli %arg1, %mul3A_117 : i32
    %add3A_119 = arith.constant 256 : i32
    %add3A_120 = arith.addi %mul3A_118, %add3A_119 : i32
    "tpu.region"() ({
      %run_scoped3A = tpu.sem_alloc : memref<!tpu.dma_semaphore, #tpu.memory_space<semaphore_mem>>
      %dma_start3A_195 = arith.constant 0 : i32
      %dma_start3A_196 = tpu.memref_slice %arg15[%add3A_120, %dma_start3A_195] : memref<10000x64xf32, #tpu.memory_space<vmem_shared>> -> memref<128x64xf32, #tpu.memory_space<vmem_shared>>
      %dma_start3A_197 = arith.constant 0 : i32
      %dma_start3A_198 = tpu.memref_slice %arg15[%add3A_120, %dma_start3A_197] : memref<10000x64xf32, #tpu.memory_space<vmem_shared>> -> memref<128x64xf32, #tpu.memory_space<vmem_shared>>
      tpu.enqueue_dma source(%arg14 : memref<128x64xf32, #tpu.memory_space<vmem>>) target(%dma_start3A_198 : memref<128x64xf32, #tpu.memory_space<vmem_shared>>) target_semaphore(%run_scoped3A : memref<!tpu.dma_semaphore, #tpu.memory_space<semaphore_mem>>)
      %dma_wait3A_199 = arith.constant 0 : i32
      %dma_wait3A_200 = tpu.memref_slice %arg15[%add3A_120, %dma_wait3A_199] : memref<10000x64xf32, #tpu.memory_space<vmem_shared>> -> memref<128x64xf32, #tpu.memory_space<vmem_shared>>
      %dma_wait3A_201 = arith.constant 0 : i32
      %dma_wait3A_202 = tpu.memref_slice %arg15[%add3A_120, %dma_wait3A_201] : memref<10000x64xf32, #tpu.memory_space<vmem_shared>> -> memref<128x64xf32, #tpu.memory_space<vmem_shared>>
      tpu.wait_dma2 semaphore(%run_scoped3A : memref<!tpu.dma_semaphore, #tpu.memory_space<semaphore_mem>>) src(%arg14 : memref<128x64xf32, #tpu.memory_space<vmem>>) dst(%dma_wait3A_202 : memref<128x64xf32, #tpu.memory_space<vmem_shared>>)
      tpu.yield
    }) : () -> ()
    %mul3A_121 = arith.constant 624 : i32
    %mul3A_122 = arith.muli %arg1, %mul3A_121 : i32
    %add3A_123 = arith.constant 384 : i32
    %add3A_124 = arith.addi %mul3A_122, %add3A_123 : i32
    "tpu.region"() ({
      %run_scoped3A = tpu.sem_alloc : memref<!tpu.dma_semaphore, #tpu.memory_space<semaphore_mem>>
      %dma_start3A_195 = arith.constant 0 : i32
      %dma_start3A_196 = tpu.memref_slice %arg15[%add3A_124, %dma_start3A_195] : memref<10000x64xf32, #tpu.memory_space<vmem_shared>> -> memref<128x64xf32, #tpu.memory_space<vmem_shared>>
      %dma_start3A_197 = arith.constant 0 : i32
      %dma_start3A_198 = tpu.memref_slice %arg15[%add3A_124, %dma_start3A_197] : memref<10000x64xf32, #tpu.memory_space<vmem_shared>> -> memref<128x64xf32, #tpu.memory_space<vmem_shared>>
      tpu.enqueue_dma source(%arg14 : memref<128x64xf32, #tpu.memory_space<vmem>>) target(%dma_start3A_198 : memref<128x64xf32, #tpu.memory_space<vmem_shared>>) target_semaphore(%run_scoped3A : memref<!tpu.dma_semaphore, #tpu.memory_space<semaphore_mem>>)
      %dma_wait3A_199 = arith.constant 0 : i32
      %dma_wait3A_200 = tpu.memref_slice %arg15[%add3A_124, %dma_wait3A_199] : memref<10000x64xf32, #tpu.memory_space<vmem_shared>> -> memref<128x64xf32, #tpu.memory_space<vmem_shared>>
      %dma_wait3A_201 = arith.constant 0 : i32
      %dma_wait3A_202 = tpu.memref_slice %arg15[%add3A_124, %dma_wait3A_201] : memref<10000x64xf32, #tpu.memory_space<vmem_shared>> -> memref<128x64xf32, #tpu.memory_space<vmem_shared>>
      tpu.wait_dma2 semaphore(%run_scoped3A : memref<!tpu.dma_semaphore, #tpu.memory_space<semaphore_mem>>) src(%arg14 : memref<128x64xf32, #tpu.memory_space<vmem>>) dst(%dma_wait3A_202 : memref<128x64xf32, #tpu.memory_space<vmem_shared>>)
      tpu.yield
    }) : () -> ()
    %mul3A_125 = arith.constant 624 : i32
    %mul3A_126 = arith.muli %arg1, %mul3A_125 : i32
    %add3A_127 = arith.constant 512 : i32
    %add3A_128 = arith.addi %mul3A_126, %add3A_127 : i32
    "tpu.region"() ({
      %run_scoped3A = tpu.sem_alloc : memref<!tpu.dma_semaphore, #tpu.memory_space<semaphore_mem>>
      %dma_start3A_195 = arith.constant 0 : i32
      %dma_start3A_196 = tpu.memref_slice %arg15[%add3A_128, %dma_start3A_195] : memref<10000x64xf32, #tpu.memory_space<vmem_shared>> -> memref<128x64xf32, #tpu.memory_space<vmem_shared>>
      %dma_start3A_197 = arith.constant 0 : i32
      %dma_start3A_198 = tpu.memref_slice %arg15[%add3A_128, %dma_start3A_197] : memref<10000x64xf32, #tpu.memory_space<vmem_shared>> -> memref<128x64xf32, #tpu.memory_space<vmem_shared>>
      tpu.enqueue_dma source(%arg14 : memref<128x64xf32, #tpu.memory_space<vmem>>) target(%dma_start3A_198 : memref<128x64xf32, #tpu.memory_space<vmem_shared>>) target_semaphore(%run_scoped3A : memref<!tpu.dma_semaphore, #tpu.memory_space<semaphore_mem>>)
      %dma_wait3A_199 = arith.constant 0 : i32
      %dma_wait3A_200 = tpu.memref_slice %arg15[%add3A_128, %dma_wait3A_199] : memref<10000x64xf32, #tpu.memory_space<vmem_shared>> -> memref<128x64xf32, #tpu.memory_space<vmem_shared>>
      %dma_wait3A_201 = arith.constant 0 : i32
      %dma_wait3A_202 = tpu.memref_slice %arg15[%add3A_128, %dma_wait3A_201] : memref<10000x64xf32, #tpu.memory_space<vmem_shared>> -> memref<128x64xf32, #tpu.memory_space<vmem_shared>>
      tpu.wait_dma2 semaphore(%run_scoped3A : memref<!tpu.dma_semaphore, #tpu.memory_space<semaphore_mem>>) src(%arg14 : memref<128x64xf32, #tpu.memory_space<vmem>>) dst(%dma_wait3A_202 : memref<128x64xf32, #tpu.memory_space<vmem_shared>>)
      tpu.yield
    }) : () -> ()
    %barrier3A_129 = arith.constant 0 : index
    tpu.barrier barrier_id(%barrier3A_129)
    %dma_start3A_130 = arith.constant 0 : i32
    %dma_start3A_131 = tpu.memref_slice %arg8[%dma_start3A_130] : memref<20000xi32, #tpu.memory_space<vmem>> -> memref<80xi32, #tpu.memory_space<vmem>>
    %dma_start3A_132 = arith.constant 0 : i32
    %dma_start3A_133 = arith.constant 0 : i32
    %dma_start3A_134 = tpu.memref_slice %arg3[%dma_start3A_132, %dma_start3A_133] : memref<10000x64xf32, #tpu.memory_space<hbm>> -> memref<10000x64xf32, #tpu.memory_space<hbm>>
    tpu.enqueue_indirect_dma source(%dma_start3A_134 : memref<10000x64xf32, #tpu.memory_space<hbm>>) target(%arg9 : memref<80x64xf32, #tpu.memory_space<vmem>>) offsets(%dma_start3A_131 : memref<80xi32, #tpu.memory_space<vmem>>) semaphore(%arg16 : memref<!tpu.dma_semaphore, #tpu.memory_space<semaphore_mem>>)
    %dma_start3A_135 = arith.constant 80 : i32
    %dma_start3A_136 = tpu.memref_slice %arg8[%dma_start3A_135] : memref<20000xi32, #tpu.memory_space<vmem>> -> memref<80xi32, #tpu.memory_space<vmem>>
    %dma_start3A_137 = arith.constant 0 : i32
    %dma_start3A_138 = arith.constant 0 : i32
    %dma_start3A_139 = tpu.memref_slice %arg3[%dma_start3A_137, %dma_start3A_138] : memref<10000x64xf32, #tpu.memory_space<hbm>> -> memref<10000x64xf32, #tpu.memory_space<hbm>>
    tpu.enqueue_indirect_dma source(%dma_start3A_139 : memref<10000x64xf32, #tpu.memory_space<hbm>>) target(%arg10 : memref<80x64xf32, #tpu.memory_space<vmem>>) offsets(%dma_start3A_136 : memref<80xi32, #tpu.memory_space<vmem>>) semaphore(%arg17 : memref<!tpu.dma_semaphore, #tpu.memory_space<semaphore_mem>>)
    %dma_start3A_140 = arith.constant 160 : i32
    %dma_start3A_141 = tpu.memref_slice %arg8[%dma_start3A_140] : memref<20000xi32, #tpu.memory_space<vmem>> -> memref<80xi32, #tpu.memory_space<vmem>>
    %dma_start3A_142 = arith.constant 0 : i32
    %dma_start3A_143 = arith.constant 0 : i32
    %dma_start3A_144 = tpu.memref_slice %arg3[%dma_start3A_142, %dma_start3A_143] : memref<10000x64xf32, #tpu.memory_space<hbm>> -> memref<10000x64xf32, #tpu.memory_space<hbm>>
    tpu.enqueue_indirect_dma source(%dma_start3A_144 : memref<10000x64xf32, #tpu.memory_space<hbm>>) target(%arg11 : memref<80x64xf32, #tpu.memory_space<vmem>>) offsets(%dma_start3A_141 : memref<80xi32, #tpu.memory_space<vmem>>) semaphore(%arg18 : memref<!tpu.dma_semaphore, #tpu.memory_space<semaphore_mem>>)
    %dma_start3A_145 = arith.constant 240 : i32
    %dma_start3A_146 = tpu.memref_slice %arg8[%dma_start3A_145] : memref<20000xi32, #tpu.memory_space<vmem>> -> memref<80xi32, #tpu.memory_space<vmem>>
    %dma_start3A_147 = arith.constant 0 : i32
    %dma_start3A_148 = arith.constant 0 : i32
    %dma_start3A_149 = tpu.memref_slice %arg3[%dma_start3A_147, %dma_start3A_148] : memref<10000x64xf32, #tpu.memory_space<hbm>> -> memref<10000x64xf32, #tpu.memory_space<hbm>>
    tpu.enqueue_indirect_dma source(%dma_start3A_149 : memref<10000x64xf32, #tpu.memory_space<hbm>>) target(%arg12 : memref<80x64xf32, #tpu.memory_space<vmem>>) offsets(%dma_start3A_146 : memref<80xi32, #tpu.memory_space<vmem>>) semaphore(%arg19 : memref<!tpu.dma_semaphore, #tpu.memory_space<semaphore_mem>>)
    %dma_start3A_150 = arith.constant 320 : i32
    %dma_start3A_151 = tpu.memref_slice %arg8[%dma_start3A_150] : memref<20000xi32, #tpu.memory_space<vmem>> -> memref<80xi32, #tpu.memory_space<vmem>>
    %dma_start3A_152 = arith.constant 0 : i32
    %dma_start3A_153 = arith.constant 0 : i32
    %dma_start3A_154 = tpu.memref_slice %arg3[%dma_start3A_152, %dma_start3A_153] : memref<10000x64xf32, #tpu.memory_space<hbm>> -> memref<10000x64xf32, #tpu.memory_space<hbm>>
    tpu.enqueue_indirect_dma source(%dma_start3A_154 : memref<10000x64xf32, #tpu.memory_space<hbm>>) target(%arg13 : memref<80x64xf32, #tpu.memory_space<vmem>>) offsets(%dma_start3A_151 : memref<80xi32, #tpu.memory_space<vmem>>) semaphore(%arg20 : memref<!tpu.dma_semaphore, #tpu.memory_space<semaphore_mem>>)
    %scan3A_155 = arith.constant 0 : i32
    %scan3A_156 = arith.constant 0 : i32
    %scan3A_157 = arith.constant 50 : i32
    %scan3A_158 = arith.addi %scan3A_156, %scan3A_157 : i32
    %scan3A_159 = arith.constant 1 : i32
    scf.for %scan3A_195 = %scan3A_156 to %scan3A_158 step %scan3A_159  : i32 {
      %mul3A_196 = arith.constant 5 : i32
      %mul3A_197 = arith.muli %mul3A_196, %scan3A_195 : i32
      %add3A_198 = arith.constant 0 : i32
      %add3A_199 = arith.addi %mul3A_197, %add3A_198 : i32
      %mul3A_200 = arith.constant 80 : i32
      %mul3A_201 = arith.muli %add3A_199, %mul3A_200 : i32
      %dma_wait3A_202 = tpu.memref_slice %arg8[%mul3A_201] : memref<20000xi32, #tpu.memory_space<vmem>> -> memref<80xi32, #tpu.memory_space<vmem>>
      %dma_wait3A_203 = arith.constant 0 : i32
      %dma_wait3A_204 = arith.constant 0 : i32
      %dma_wait3A_205 = tpu.memref_slice %arg3[%dma_wait3A_203, %dma_wait3A_204] : memref<10000x64xf32, #tpu.memory_space<hbm>> -> memref<10000x64xf32, #tpu.memory_space<hbm>>
      tpu.wait_indirect_dma semaphore(%arg16 : memref<!tpu.dma_semaphore, #tpu.memory_space<semaphore_mem>>) src(%dma_wait3A_205 : memref<10000x64xf32, #tpu.memory_space<hbm>>) dst(%arg9 : memref<80x64xf32, #tpu.memory_space<vmem>>)
      %add3A_206 = arith.constant 0 : i32
      %add3A_207 = arith.addi %mul3A_197, %add3A_206 : i32
      %mul3A_208 = arith.constant 80 : i32
      %mul3A_209 = arith.muli %add3A_207, %mul3A_208 : i32
      %dma_start3A_210 = tpu.memref_slice %arg7[%mul3A_209] : memref<20000xi32, #tpu.memory_space<vmem>> -> memref<80xi32, #tpu.memory_space<vmem>>
      %dma_start3A_211 = arith.constant 0 : i32
      %dma_start3A_212 = arith.constant 0 : i32
      %dma_start3A_213 = tpu.memref_slice %arg15[%dma_start3A_211, %dma_start3A_212] : memref<10000x64xf32, #tpu.memory_space<vmem_shared>> -> memref<10000x64xf32, #tpu.memory_space<vmem_shared>>
      tpu.enqueue_indirect_dma source(%arg9 : memref<80x64xf32, #tpu.memory_space<vmem>>) target(%dma_start3A_213 : memref<10000x64xf32, #tpu.memory_space<vmem_shared>>) offsets(%dma_start3A_210 : memref<80xi32, #tpu.memory_space<vmem>>) semaphore(%arg21 : memref<!tpu.dma_semaphore, #tpu.memory_space<semaphore_mem>>) {add = true}
      %add3A_214 = arith.constant 1 : i32
      %add3A_215 = arith.addi %mul3A_197, %add3A_214 : i32
      %mul3A_216 = arith.constant 80 : i32
      %mul3A_217 = arith.muli %add3A_215, %mul3A_216 : i32
      %dma_wait3A_218 = tpu.memref_slice %arg8[%mul3A_217] : memref<20000xi32, #tpu.memory_space<vmem>> -> memref<80xi32, #tpu.memory_space<vmem>>
      %dma_wait3A_219 = arith.constant 0 : i32
      %dma_wait3A_220 = arith.constant 0 : i32
      %dma_wait3A_221 = tpu.memref_slice %arg3[%dma_wait3A_219, %dma_wait3A_220] : memref<10000x64xf32, #tpu.memory_space<hbm>> -> memref<10000x64xf32, #tpu.memory_space<hbm>>
      tpu.wait_indirect_dma semaphore(%arg17 : memref<!tpu.dma_semaphore, #tpu.memory_space<semaphore_mem>>) src(%dma_wait3A_221 : memref<10000x64xf32, #tpu.memory_space<hbm>>) dst(%arg10 : memref<80x64xf32, #tpu.memory_space<vmem>>)
      %add3A_222 = arith.constant 1 : i32
      %add3A_223 = arith.addi %mul3A_197, %add3A_222 : i32
      %mul3A_224 = arith.constant 80 : i32
      %mul3A_225 = arith.muli %add3A_223, %mul3A_224 : i32
      %dma_start3A_226 = tpu.memref_slice %arg7[%mul3A_225] : memref<20000xi32, #tpu.memory_space<vmem>> -> memref<80xi32, #tpu.memory_space<vmem>>
      %dma_start3A_227 = arith.constant 0 : i32
      %dma_start3A_228 = arith.constant 0 : i32
      %dma_start3A_229 = tpu.memref_slice %arg15[%dma_start3A_227, %dma_start3A_228] : memref<10000x64xf32, #tpu.memory_space<vmem_shared>> -> memref<10000x64xf32, #tpu.memory_space<vmem_shared>>
      tpu.enqueue_indirect_dma source(%arg10 : memref<80x64xf32, #tpu.memory_space<vmem>>) target(%dma_start3A_229 : memref<10000x64xf32, #tpu.memory_space<vmem_shared>>) offsets(%dma_start3A_226 : memref<80xi32, #tpu.memory_space<vmem>>) semaphore(%arg22 : memref<!tpu.dma_semaphore, #tpu.memory_space<semaphore_mem>>) {add = true}
      %add3A_230 = arith.constant 2 : i32
      %add3A_231 = arith.addi %mul3A_197, %add3A_230 : i32
      %mul3A_232 = arith.constant 80 : i32
      %mul3A_233 = arith.muli %add3A_231, %mul3A_232 : i32
      %dma_wait3A_234 = tpu.memref_slice %arg8[%mul3A_233] : memref<20000xi32, #tpu.memory_space<vmem>> -> memref<80xi32, #tpu.memory_space<vmem>>
      %dma_wait3A_235 = arith.constant 0 : i32
      %dma_wait3A_236 = arith.constant 0 : i32
      %dma_wait3A_237 = tpu.memref_slice %arg3[%dma_wait3A_235, %dma_wait3A_236] : memref<10000x64xf32, #tpu.memory_space<hbm>> -> memref<10000x64xf32, #tpu.memory_space<hbm>>
      tpu.wait_indirect_dma semaphore(%arg18 : memref<!tpu.dma_semaphore, #tpu.memory_space<semaphore_mem>>) src(%dma_wait3A_237 : memref<10000x64xf32, #tpu.memory_space<hbm>>) dst(%arg11 : memref<80x64xf32, #tpu.memory_space<vmem>>)
      %add3A_238 = arith.constant 2 : i32
      %add3A_239 = arith.addi %mul3A_197, %add3A_238 : i32
      %mul3A_240 = arith.constant 80 : i32
      %mul3A_241 = arith.muli %add3A_239, %mul3A_240 : i32
      %dma_start3A_242 = tpu.memref_slice %arg7[%mul3A_241] : memref<20000xi32, #tpu.memory_space<vmem>> -> memref<80xi32, #tpu.memory_space<vmem>>
      %dma_start3A_243 = arith.constant 0 : i32
      %dma_start3A_244 = arith.constant 0 : i32
      %dma_start3A_245 = tpu.memref_slice %arg15[%dma_start3A_243, %dma_start3A_244] : memref<10000x64xf32, #tpu.memory_space<vmem_shared>> -> memref<10000x64xf32, #tpu.memory_space<vmem_shared>>
      tpu.enqueue_indirect_dma source(%arg11 : memref<80x64xf32, #tpu.memory_space<vmem>>) target(%dma_start3A_245 : memref<10000x64xf32, #tpu.memory_space<vmem_shared>>) offsets(%dma_start3A_242 : memref<80xi32, #tpu.memory_space<vmem>>) semaphore(%arg23 : memref<!tpu.dma_semaphore, #tpu.memory_space<semaphore_mem>>) {add = true}
      %add3A_246 = arith.constant 3 : i32
      %add3A_247 = arith.addi %mul3A_197, %add3A_246 : i32
      %mul3A_248 = arith.constant 80 : i32
      %mul3A_249 = arith.muli %add3A_247, %mul3A_248 : i32
      %dma_wait3A_250 = tpu.memref_slice %arg8[%mul3A_249] : memref<20000xi32, #tpu.memory_space<vmem>> -> memref<80xi32, #tpu.memory_space<vmem>>
      %dma_wait3A_251 = arith.constant 0 : i32
      %dma_wait3A_252 = arith.constant 0 : i32
      %dma_wait3A_253 = tpu.memref_slice %arg3[%dma_wait3A_251, %dma_wait3A_252] : memref<10000x64xf32, #tpu.memory_space<hbm>> -> memref<10000x64xf32, #tpu.memory_space<hbm>>
      tpu.wait_indirect_dma semaphore(%arg19 : memref<!tpu.dma_semaphore, #tpu.memory_space<semaphore_mem>>) src(%dma_wait3A_253 : memref<10000x64xf32, #tpu.memory_space<hbm>>) dst(%arg12 : memref<80x64xf32, #tpu.memory_space<vmem>>)
      %add3A_254 = arith.constant 3 : i32
      %add3A_255 = arith.addi %mul3A_197, %add3A_254 : i32
      %mul3A_256 = arith.constant 80 : i32
      %mul3A_257 = arith.muli %add3A_255, %mul3A_256 : i32
      %dma_start3A_258 = tpu.memref_slice %arg7[%mul3A_257] : memref<20000xi32, #tpu.memory_space<vmem>> -> memref<80xi32, #tpu.memory_space<vmem>>
      %dma_start3A_259 = arith.constant 0 : i32
      %dma_start3A_260 = arith.constant 0 : i32
      %dma_start3A_261 = tpu.memref_slice %arg15[%dma_start3A_259, %dma_start3A_260] : memref<10000x64xf32, #tpu.memory_space<vmem_shared>> -> memref<10000x64xf32, #tpu.memory_space<vmem_shared>>
      tpu.enqueue_indirect_dma source(%arg12 : memref<80x64xf32, #tpu.memory_space<vmem>>) target(%dma_start3A_261 : memref<10000x64xf32, #tpu.memory_space<vmem_shared>>) offsets(%dma_start3A_258 : memref<80xi32, #tpu.memory_space<vmem>>) semaphore(%arg24 : memref<!tpu.dma_semaphore, #tpu.memory_space<semaphore_mem>>) {add = true}
      %add3A_262 = arith.constant 4 : i32
      %add3A_263 = arith.addi %mul3A_197, %add3A_262 : i32
      %mul3A_264 = arith.constant 80 : i32
      %mul3A_265 = arith.muli %add3A_263, %mul3A_264 : i32
      %dma_wait3A_266 = tpu.memref_slice %arg8[%mul3A_265] : memref<20000xi32, #tpu.memory_space<vmem>> -> memref<80xi32, #tpu.memory_space<vmem>>
      %dma_wait3A_267 = arith.constant 0 : i32
      %dma_wait3A_268 = arith.constant 0 : i32
      %dma_wait3A_269 = tpu.memref_slice %arg3[%dma_wait3A_267, %dma_wait3A_268] : memref<10000x64xf32, #tpu.memory_space<hbm>> -> memref<10000x64xf32, #tpu.memory_space<hbm>>
      tpu.wait_indirect_dma semaphore(%arg20 : memref<!tpu.dma_semaphore, #tpu.memory_space<semaphore_mem>>) src(%dma_wait3A_269 : memref<10000x64xf32, #tpu.memory_space<hbm>>) dst(%arg13 : memref<80x64xf32, #tpu.memory_space<vmem>>)
      %add3A_270 = arith.constant 4 : i32
      %add3A_271 = arith.addi %mul3A_197, %add3A_270 : i32
      %mul3A_272 = arith.constant 80 : i32
      %mul3A_273 = arith.muli %add3A_271, %mul3A_272 : i32
      %dma_start3A_274 = tpu.memref_slice %arg7[%mul3A_273] : memref<20000xi32, #tpu.memory_space<vmem>> -> memref<80xi32, #tpu.memory_space<vmem>>
      %dma_start3A_275 = arith.constant 0 : i32
      %dma_start3A_276 = arith.constant 0 : i32
      %dma_start3A_277 = tpu.memref_slice %arg15[%dma_start3A_275, %dma_start3A_276] : memref<10000x64xf32, #tpu.memory_space<vmem_shared>> -> memref<10000x64xf32, #tpu.memory_space<vmem_shared>>
      tpu.enqueue_indirect_dma source(%arg13 : memref<80x64xf32, #tpu.memory_space<vmem>>) target(%dma_start3A_277 : memref<10000x64xf32, #tpu.memory_space<vmem_shared>>) offsets(%dma_start3A_274 : memref<80xi32, #tpu.memory_space<vmem>>) semaphore(%arg25 : memref<!tpu.dma_semaphore, #tpu.memory_space<semaphore_mem>>) {add = true}
      %lt3A = arith.constant 49 : i32
      %lt3A_278 = arith.cmpi slt, %scan3A_195, %lt3A : i32
      %convert_element_type3A_279 = arith.extui %lt3A_278 : i1 to i32
      %cond3A_280 = arith.constant 0 : i32
      %cond3A_281 = arith.cmpi ne, %convert_element_type3A_279, %cond3A_280 : i32
      scf.if %cond3A_281 {
        %add3A_302 = arith.constant 0 : i32
        %add3A_303 = arith.addi %mul3A_197, %add3A_302 : i32
        %mul3A_304 = arith.constant 80 : i32
        %mul3A_305 = arith.muli %add3A_303, %mul3A_304 : i32
        %dma_wait3A_306 = tpu.memref_slice %arg7[%mul3A_305] : memref<20000xi32, #tpu.memory_space<vmem>> -> memref<80xi32, #tpu.memory_space<vmem>>
        %dma_wait3A_307 = arith.constant 0 : i32
        %dma_wait3A_308 = arith.constant 0 : i32
        %dma_wait3A_309 = tpu.memref_slice %arg15[%dma_wait3A_307, %dma_wait3A_308] : memref<10000x64xf32, #tpu.memory_space<vmem_shared>> -> memref<10000x64xf32, #tpu.memory_space<vmem_shared>>
        tpu.wait_indirect_dma semaphore(%arg21 : memref<!tpu.dma_semaphore, #tpu.memory_space<semaphore_mem>>) src(%arg9 : memref<80x64xf32, #tpu.memory_space<vmem>>) dst(%dma_wait3A_309 : memref<10000x64xf32, #tpu.memory_space<vmem_shared>>)
        %add3A_310 = arith.constant 5 : i32
        %add3A_311 = arith.addi %mul3A_197, %add3A_310 : i32
        %add3A_312 = arith.constant 0 : i32
        %add3A_313 = arith.addi %add3A_311, %add3A_312 : i32
        %mul3A_314 = arith.constant 80 : i32
        %mul3A_315 = arith.muli %add3A_313, %mul3A_314 : i32
        %dma_start3A_316 = tpu.memref_slice %arg8[%mul3A_315] : memref<20000xi32, #tpu.memory_space<vmem>> -> memref<80xi32, #tpu.memory_space<vmem>>
        %dma_start3A_317 = arith.constant 0 : i32
        %dma_start3A_318 = arith.constant 0 : i32
        %dma_start3A_319 = tpu.memref_slice %arg3[%dma_start3A_317, %dma_start3A_318] : memref<10000x64xf32, #tpu.memory_space<hbm>> -> memref<10000x64xf32, #tpu.memory_space<hbm>>
        tpu.enqueue_indirect_dma source(%dma_start3A_319 : memref<10000x64xf32, #tpu.memory_space<hbm>>) target(%arg9 : memref<80x64xf32, #tpu.memory_space<vmem>>) offsets(%dma_start3A_316 : memref<80xi32, #tpu.memory_space<vmem>>) semaphore(%arg16 : memref<!tpu.dma_semaphore, #tpu.memory_space<semaphore_mem>>)
      } else {
      }
      %lt3A_282 = arith.constant 49 : i32
      %lt3A_283 = arith.cmpi slt, %scan3A_195, %lt3A_282 : i32
      %convert_element_type3A_284 = arith.extui %lt3A_283 : i1 to i32
      %cond3A_285 = arith.constant 0 : i32
      %cond3A_286 = arith.cmpi ne, %convert_element_type3A_284, %cond3A_285 : i32
      scf.if %cond3A_286 {
        %add3A_302 = arith.constant 1 : i32
        %add3A_303 = arith.addi %mul3A_197, %add3A_302 : i32
        %mul3A_304 = arith.constant 80 : i32
        %mul3A_305 = arith.muli %add3A_303, %mul3A_304 : i32
        %dma_wait3A_306 = tpu.memref_slice %arg7[%mul3A_305] : memref<20000xi32, #tpu.memory_space<vmem>> -> memref<80xi32, #tpu.memory_space<vmem>>
        %dma_wait3A_307 = arith.constant 0 : i32
        %dma_wait3A_308 = arith.constant 0 : i32
        %dma_wait3A_309 = tpu.memref_slice %arg15[%dma_wait3A_307, %dma_wait3A_308] : memref<10000x64xf32, #tpu.memory_space<vmem_shared>> -> memref<10000x64xf32, #tpu.memory_space<vmem_shared>>
        tpu.wait_indirect_dma semaphore(%arg22 : memref<!tpu.dma_semaphore, #tpu.memory_space<semaphore_mem>>) src(%arg10 : memref<80x64xf32, #tpu.memory_space<vmem>>) dst(%dma_wait3A_309 : memref<10000x64xf32, #tpu.memory_space<vmem_shared>>)
        %add3A_310 = arith.constant 5 : i32
        %add3A_311 = arith.addi %mul3A_197, %add3A_310 : i32
        %add3A_312 = arith.constant 1 : i32
        %add3A_313 = arith.addi %add3A_311, %add3A_312 : i32
        %mul3A_314 = arith.constant 80 : i32
        %mul3A_315 = arith.muli %add3A_313, %mul3A_314 : i32
        %dma_start3A_316 = tpu.memref_slice %arg8[%mul3A_315] : memref<20000xi32, #tpu.memory_space<vmem>> -> memref<80xi32, #tpu.memory_space<vmem>>
        %dma_start3A_317 = arith.constant 0 : i32
        %dma_start3A_318 = arith.constant 0 : i32
        %dma_start3A_319 = tpu.memref_slice %arg3[%dma_start3A_317, %dma_start3A_318] : memref<10000x64xf32, #tpu.memory_space<hbm>> -> memref<10000x64xf32, #tpu.memory_space<hbm>>
        tpu.enqueue_indirect_dma source(%dma_start3A_319 : memref<10000x64xf32, #tpu.memory_space<hbm>>) target(%arg10 : memref<80x64xf32, #tpu.memory_space<vmem>>) offsets(%dma_start3A_316 : memref<80xi32, #tpu.memory_space<vmem>>) semaphore(%arg17 : memref<!tpu.dma_semaphore, #tpu.memory_space<semaphore_mem>>)
      } else {
      }
      %lt3A_287 = arith.constant 49 : i32
      %lt3A_288 = arith.cmpi slt, %scan3A_195, %lt3A_287 : i32
      %convert_element_type3A_289 = arith.extui %lt3A_288 : i1 to i32
      %cond3A_290 = arith.constant 0 : i32
      %cond3A_291 = arith.cmpi ne, %convert_element_type3A_289, %cond3A_290 : i32
      scf.if %cond3A_291 {
        %add3A_302 = arith.constant 2 : i32
        %add3A_303 = arith.addi %mul3A_197, %add3A_302 : i32
        %mul3A_304 = arith.constant 80 : i32
        %mul3A_305 = arith.muli %add3A_303, %mul3A_304 : i32
        %dma_wait3A_306 = tpu.memref_slice %arg7[%mul3A_305] : memref<20000xi32, #tpu.memory_space<vmem>> -> memref<80xi32, #tpu.memory_space<vmem>>
        %dma_wait3A_307 = arith.constant 0 : i32
        %dma_wait3A_308 = arith.constant 0 : i32
        %dma_wait3A_309 = tpu.memref_slice %arg15[%dma_wait3A_307, %dma_wait3A_308] : memref<10000x64xf32, #tpu.memory_space<vmem_shared>> -> memref<10000x64xf32, #tpu.memory_space<vmem_shared>>
        tpu.wait_indirect_dma semaphore(%arg23 : memref<!tpu.dma_semaphore, #tpu.memory_space<semaphore_mem>>) src(%arg11 : memref<80x64xf32, #tpu.memory_space<vmem>>) dst(%dma_wait3A_309 : memref<10000x64xf32, #tpu.memory_space<vmem_shared>>)
        %add3A_310 = arith.constant 5 : i32
        %add3A_311 = arith.addi %mul3A_197, %add3A_310 : i32
        %add3A_312 = arith.constant 2 : i32
        %add3A_313 = arith.addi %add3A_311, %add3A_312 : i32
        %mul3A_314 = arith.constant 80 : i32
        %mul3A_315 = arith.muli %add3A_313, %mul3A_314 : i32
        %dma_start3A_316 = tpu.memref_slice %arg8[%mul3A_315] : memref<20000xi32, #tpu.memory_space<vmem>> -> memref<80xi32, #tpu.memory_space<vmem>>
        %dma_start3A_317 = arith.constant 0 : i32
        %dma_start3A_318 = arith.constant 0 : i32
        %dma_start3A_319 = tpu.memref_slice %arg3[%dma_start3A_317, %dma_start3A_318] : memref<10000x64xf32, #tpu.memory_space<hbm>> -> memref<10000x64xf32, #tpu.memory_space<hbm>>
        tpu.enqueue_indirect_dma source(%dma_start3A_319 : memref<10000x64xf32, #tpu.memory_space<hbm>>) target(%arg11 : memref<80x64xf32, #tpu.memory_space<vmem>>) offsets(%dma_start3A_316 : memref<80xi32, #tpu.memory_space<vmem>>) semaphore(%arg18 : memref<!tpu.dma_semaphore, #tpu.memory_space<semaphore_mem>>)
      } else {
      }
      %lt3A_292 = arith.constant 49 : i32
      %lt3A_293 = arith.cmpi slt, %scan3A_195, %lt3A_292 : i32
      %convert_element_type3A_294 = arith.extui %lt3A_293 : i1 to i32
      %cond3A_295 = arith.constant 0 : i32
      %cond3A_296 = arith.cmpi ne, %convert_element_type3A_294, %cond3A_295 : i32
      scf.if %cond3A_296 {
        %add3A_302 = arith.constant 3 : i32
        %add3A_303 = arith.addi %mul3A_197, %add3A_302 : i32
        %mul3A_304 = arith.constant 80 : i32
        %mul3A_305 = arith.muli %add3A_303, %mul3A_304 : i32
        %dma_wait3A_306 = tpu.memref_slice %arg7[%mul3A_305] : memref<20000xi32, #tpu.memory_space<vmem>> -> memref<80xi32, #tpu.memory_space<vmem>>
        %dma_wait3A_307 = arith.constant 0 : i32
        %dma_wait3A_308 = arith.constant 0 : i32
        %dma_wait3A_309 = tpu.memref_slice %arg15[%dma_wait3A_307, %dma_wait3A_308] : memref<10000x64xf32, #tpu.memory_space<vmem_shared>> -> memref<10000x64xf32, #tpu.memory_space<vmem_shared>>
        tpu.wait_indirect_dma semaphore(%arg24 : memref<!tpu.dma_semaphore, #tpu.memory_space<semaphore_mem>>) src(%arg12 : memref<80x64xf32, #tpu.memory_space<vmem>>) dst(%dma_wait3A_309 : memref<10000x64xf32, #tpu.memory_space<vmem_shared>>)
        %add3A_310 = arith.constant 5 : i32
        %add3A_311 = arith.addi %mul3A_197, %add3A_310 : i32
        %add3A_312 = arith.constant 3 : i32
        %add3A_313 = arith.addi %add3A_311, %add3A_312 : i32
        %mul3A_314 = arith.constant 80 : i32
        %mul3A_315 = arith.muli %add3A_313, %mul3A_314 : i32
        %dma_start3A_316 = tpu.memref_slice %arg8[%mul3A_315] : memref<20000xi32, #tpu.memory_space<vmem>> -> memref<80xi32, #tpu.memory_space<vmem>>
        %dma_start3A_317 = arith.constant 0 : i32
        %dma_start3A_318 = arith.constant 0 : i32
        %dma_start3A_319 = tpu.memref_slice %arg3[%dma_start3A_317, %dma_start3A_318] : memref<10000x64xf32, #tpu.memory_space<hbm>> -> memref<10000x64xf32, #tpu.memory_space<hbm>>
        tpu.enqueue_indirect_dma source(%dma_start3A_319 : memref<10000x64xf32, #tpu.memory_space<hbm>>) target(%arg12 : memref<80x64xf32, #tpu.memory_space<vmem>>) offsets(%dma_start3A_316 : memref<80xi32, #tpu.memory_space<vmem>>) semaphore(%arg19 : memref<!tpu.dma_semaphore, #tpu.memory_space<semaphore_mem>>)
      } else {
      }
      %lt3A_297 = arith.constant 49 : i32
      %lt3A_298 = arith.cmpi slt, %scan3A_195, %lt3A_297 : i32
      %convert_element_type3A_299 = arith.extui %lt3A_298 : i1 to i32
      %cond3A_300 = arith.constant 0 : i32
      %cond3A_301 = arith.cmpi ne, %convert_element_type3A_299, %cond3A_300 : i32
      scf.if %cond3A_301 {
        %add3A_302 = arith.constant 4 : i32
        %add3A_303 = arith.addi %mul3A_197, %add3A_302 : i32
        %mul3A_304 = arith.constant 80 : i32
        %mul3A_305 = arith.muli %add3A_303, %mul3A_304 : i32
        %dma_wait3A_306 = tpu.memref_slice %arg7[%mul3A_305] : memref<20000xi32, #tpu.memory_space<vmem>> -> memref<80xi32, #tpu.memory_space<vmem>>
        %dma_wait3A_307 = arith.constant 0 : i32
        %dma_wait3A_308 = arith.constant 0 : i32
        %dma_wait3A_309 = tpu.memref_slice %arg15[%dma_wait3A_307, %dma_wait3A_308] : memref<10000x64xf32, #tpu.memory_space<vmem_shared>> -> memref<10000x64xf32, #tpu.memory_space<vmem_shared>>
        tpu.wait_indirect_dma semaphore(%arg25 : memref<!tpu.dma_semaphore, #tpu.memory_space<semaphore_mem>>) src(%arg13 : memref<80x64xf32, #tpu.memory_space<vmem>>) dst(%dma_wait3A_309 : memref<10000x64xf32, #tpu.memory_space<vmem_shared>>)
        %add3A_310 = arith.constant 5 : i32
        %add3A_311 = arith.addi %mul3A_197, %add3A_310 : i32
        %add3A_312 = arith.constant 4 : i32
        %add3A_313 = arith.addi %add3A_311, %add3A_312 : i32
        %mul3A_314 = arith.constant 80 : i32
        %mul3A_315 = arith.muli %add3A_313, %mul3A_314 : i32
        %dma_start3A_316 = tpu.memref_slice %arg8[%mul3A_315] : memref<20000xi32, #tpu.memory_space<vmem>> -> memref<80xi32, #tpu.memory_space<vmem>>
        %dma_start3A_317 = arith.constant 0 : i32
        %dma_start3A_318 = arith.constant 0 : i32
        %dma_start3A_319 = tpu.memref_slice %arg3[%dma_start3A_317, %dma_start3A_318] : memref<10000x64xf32, #tpu.memory_space<hbm>> -> memref<10000x64xf32, #tpu.memory_space<hbm>>
        tpu.enqueue_indirect_dma source(%dma_start3A_319 : memref<10000x64xf32, #tpu.memory_space<hbm>>) target(%arg13 : memref<80x64xf32, #tpu.memory_space<vmem>>) offsets(%dma_start3A_316 : memref<80xi32, #tpu.memory_space<vmem>>) semaphore(%arg20 : memref<!tpu.dma_semaphore, #tpu.memory_space<semaphore_mem>>)
      } else {
      }
    }
    %scan3A_160 = arith.constant 50 : i32
    %dma_wait3A_161 = arith.constant 19600 : i32
    %dma_wait3A_162 = tpu.memref_slice %arg7[%dma_wait3A_161] : memref<20000xi32, #tpu.memory_space<vmem>> -> memref<80xi32, #tpu.memory_space<vmem>>
    %dma_wait3A_163 = arith.constant 0 : i32
    %dma_wait3A_164 = arith.constant 0 : i32
    %dma_wait3A_165 = tpu.memref_slice %arg15[%dma_wait3A_163, %dma_wait3A_164] : memref<10000x64xf32, #tpu.memory_space<vmem_shared>> -> memref<10000x64xf32, #tpu.memory_space<vmem_shared>>
    tpu.wait_indirect_dma semaphore(%arg21 : memref<!tpu.dma_semaphore, #tpu.memory_space<semaphore_mem>>) src(%arg9 : memref<80x64xf32, #tpu.memory_space<vmem>>) dst(%dma_wait3A_165 : memref<10000x64xf32, #tpu.memory_space<vmem_shared>>)
    %dma_wait3A_166 = arith.constant 19680 : i32
    %dma_wait3A_167 = tpu.memref_slice %arg7[%dma_wait3A_166] : memref<20000xi32, #tpu.memory_space<vmem>> -> memref<80xi32, #tpu.memory_space<vmem>>
    %dma_wait3A_168 = arith.constant 0 : i32
    %dma_wait3A_169 = arith.constant 0 : i32
    %dma_wait3A_170 = tpu.memref_slice %arg15[%dma_wait3A_168, %dma_wait3A_169] : memref<10000x64xf32, #tpu.memory_space<vmem_shared>> -> memref<10000x64xf32, #tpu.memory_space<vmem_shared>>
    tpu.wait_indirect_dma semaphore(%arg22 : memref<!tpu.dma_semaphore, #tpu.memory_space<semaphore_mem>>) src(%arg10 : memref<80x64xf32, #tpu.memory_space<vmem>>) dst(%dma_wait3A_170 : memref<10000x64xf32, #tpu.memory_space<vmem_shared>>)
    %dma_wait3A_171 = arith.constant 19760 : i32
    %dma_wait3A_172 = tpu.memref_slice %arg7[%dma_wait3A_171] : memref<20000xi32, #tpu.memory_space<vmem>> -> memref<80xi32, #tpu.memory_space<vmem>>
    %dma_wait3A_173 = arith.constant 0 : i32
    %dma_wait3A_174 = arith.constant 0 : i32
    %dma_wait3A_175 = tpu.memref_slice %arg15[%dma_wait3A_173, %dma_wait3A_174] : memref<10000x64xf32, #tpu.memory_space<vmem_shared>> -> memref<10000x64xf32, #tpu.memory_space<vmem_shared>>
    tpu.wait_indirect_dma semaphore(%arg23 : memref<!tpu.dma_semaphore, #tpu.memory_space<semaphore_mem>>) src(%arg11 : memref<80x64xf32, #tpu.memory_space<vmem>>) dst(%dma_wait3A_175 : memref<10000x64xf32, #tpu.memory_space<vmem_shared>>)
    %dma_wait3A_176 = arith.constant 19840 : i32
    %dma_wait3A_177 = tpu.memref_slice %arg7[%dma_wait3A_176] : memref<20000xi32, #tpu.memory_space<vmem>> -> memref<80xi32, #tpu.memory_space<vmem>>
    %dma_wait3A_178 = arith.constant 0 : i32
    %dma_wait3A_179 = arith.constant 0 : i32
    %dma_wait3A_180 = tpu.memref_slice %arg15[%dma_wait3A_178, %dma_wait3A_179] : memref<10000x64xf32, #tpu.memory_space<vmem_shared>> -> memref<10000x64xf32, #tpu.memory_space<vmem_shared>>
    tpu.wait_indirect_dma semaphore(%arg24 : memref<!tpu.dma_semaphore, #tpu.memory_space<semaphore_mem>>) src(%arg12 : memref<80x64xf32, #tpu.memory_space<vmem>>) dst(%dma_wait3A_180 : memref<10000x64xf32, #tpu.memory_space<vmem_shared>>)
    %dma_wait3A_181 = arith.constant 19920 : i32
    %dma_wait3A_182 = tpu.memref_slice %arg7[%dma_wait3A_181] : memref<20000xi32, #tpu.memory_space<vmem>> -> memref<80xi32, #tpu.memory_space<vmem>>
    %dma_wait3A_183 = arith.constant 0 : i32
    %dma_wait3A_184 = arith.constant 0 : i32
    %dma_wait3A_185 = tpu.memref_slice %arg15[%dma_wait3A_183, %dma_wait3A_184] : memref<10000x64xf32, #tpu.memory_space<vmem_shared>> -> memref<10000x64xf32, #tpu.memory_space<vmem_shared>>
    tpu.wait_indirect_dma semaphore(%arg25 : memref<!tpu.dma_semaphore, #tpu.memory_space<semaphore_mem>>) src(%arg13 : memref<80x64xf32, #tpu.memory_space<vmem>>) dst(%dma_wait3A_185 : memref<10000x64xf32, #tpu.memory_space<vmem_shared>>)
    %barrier3A_186 = arith.constant 0 : index
    tpu.barrier barrier_id(%barrier3A_186)
    %mul3A_187 = arith.constant 624 : i32
    %mul3A_188 = arith.muli %arg1, %mul3A_187 : i32
    %mul3A_189 = arith.constant 624 : i32
    %mul3A_190 = arith.muli %arg1, %mul3A_189 : i32
    %mul3A_191 = arith.constant 128 : i32
    %mul3A_192 = arith.muli %arg0, %mul3A_191 : i32
    %add3A_193 = arith.constant 64 : i32
    %add3A_194 = arith.addi %mul3A_192, %add3A_193 : i32
    "tpu.region"() ({
      %run_scoped3A = tpu.sem_alloc : memref<!tpu.dma_semaphore, #tpu.memory_space<semaphore_mem>>
      %dma_start3A_195 = tpu.memref_slice %arg6[%mul3A_190, %add3A_194] : memref<10000x256xf32, #tpu.memory_space<hbm>> -> memref<640x64xf32, #tpu.memory_space<hbm>>
      %dma_start3A_196 = arith.constant 0 : i32
      %dma_start3A_197 = tpu.memref_slice %arg15[%mul3A_188, %dma_start3A_196] : memref<10000x64xf32, #tpu.memory_space<vmem_shared>> -> memref<640x64xf32, #tpu.memory_space<vmem_shared>>
      tpu.enqueue_dma source(%dma_start3A_197 : memref<640x64xf32, #tpu.memory_space<vmem_shared>>) target(%dma_start3A_195 : memref<640x64xf32, #tpu.memory_space<hbm>>) target_semaphore(%run_scoped3A : memref<!tpu.dma_semaphore, #tpu.memory_space<semaphore_mem>>)
      %dma_wait3A_198 = tpu.memref_slice %arg6[%mul3A_190, %add3A_194] : memref<10000x256xf32, #tpu.memory_space<hbm>> -> memref<640x64xf32, #tpu.memory_space<hbm>>
      %dma_wait3A_199 = arith.constant 0 : i32
      %dma_wait3A_200 = tpu.memref_slice %arg15[%mul3A_188, %dma_wait3A_199] : memref<10000x64xf32, #tpu.memory_space<vmem_shared>> -> memref<640x64xf32, #tpu.memory_space<vmem_shared>>
      tpu.wait_dma2 semaphore(%run_scoped3A : memref<!tpu.dma_semaphore, #tpu.memory_space<semaphore_mem>>) src(%dma_wait3A_200 : memref<640x64xf32, #tpu.memory_space<vmem_shared>>) dst(%dma_wait3A_198 : memref<640x64xf32, #tpu.memory_space<hbm>>)
      tpu.yield
    }) : () -> ()
    return
  }
}

</mosaic_0001>

<sc_bundles>
// kernel: kernel.3.cloned.1.call-start
scs
__scs_entry_jumppad:
0x0: {  	(pc) =	sbr.rel $0x88, $3  }
0x1: {  	(tag) =	ssettag $0x0;
	lr =	simm.s32 $0x1  }
0x2: {  	[smem:$0x3F9E] =	sst lr;
	_ =	strace $0xD0000000  }
0x3: {  	_ = 	snop  }
0x4: {  	_ = 	snop  }
0x5: {  	_ = 	snop  }
0x6: {  	_ = 	snop  }
0x7: {  	_ = 	snop  }
__scs_overlays_trampoline_lowered:
0x8: {  	[smem:$0x3FAD] =	sst s0  }
0x9: {  	[smem:$0x3FAE] =	sst s1  }
0xa: {  	[smem:$0x3FAF] =	sst s2  }
0xb: {  	[smem:$0x3FB0] =	sst s3  }
0xc: {  	[smem:$0x3FB1] =	sst s4  }
0xd: {  	[smem:$0x3FB2] =	sst s5  }
0xe: {  	[smem:$0x3FB3] =	sst s6  }
0xf: {  	[smem:$0x3FB4] =	sst s7  }
0x10: {  	[smem:$0x3FB5] =	sst s8  }
0x11: {  	[smem:$0x3FB6] =	sst s9;
	s0 =	simm.s32 @!p0 $0x0  }
0x12: {  	s1 =	sld [smem:$0x3F9C];
	s0 =	simm.s32 @p0 $0x1  }
0x13: {  	[smem:$0x3FB7] =	sst s0;
	s0 =	simm.s32 @!p1 $0x0  }
0x14: {  	s2 =	sld [smem:$0x3F9B];
	s0 =	simm.s32 @p1 $0x1  }
0x15: {  	[smem:$0x3FB8] =	sst s0;
	s0 =	simm.s32 @!p2 $0x0  }
0x16: {  	s3 =	sld [smem:$0x3FDB];
	s0 =	simm.s32 @p2 $0x1  }
0x17: {  	s4 =	simm.s32 $0x1BF5;
	[smem:$0x3FBA] =	sst s0  }
0x18: {  	s0 =	sld [smem:$0x3F9D];
	_ =	swait.ge [sflag:s4], $0x0  }
0x19: {  	s7 =	sld [smem:$0x3F9E]  }
0x1a: {  	s8 =	sadd.s32 $0xFFFFE003, lr  }
0x1b: {  	s9 =	sadd.s32 $0xFFFFFEF7, lr;
	s5 =	simm.s32 $0xFFFFFFFF;
	p2 =	slt.u32 s8, $0xFFFFF086  }
0x1c: {  	p1 =	slt.u32 s9, $0xF7A;
	s5 =	simm.s32 @!p2 $0x0  }
0x1d: {  	s5 =	simm.s32 @p1 $0x1;
	p0 =	seq.s32 s7, s2  }
0x1e: {  	s7 =	smul.u32 @!p0 $0xF7A, s2;
	p2 =	seq.s32 @!p0 s5, $0x0  }
0x1f: {  	s9 =	smul.u32 $0xF7A, s1;
	s8 =	simm.s32 @!p0 $0x1BF5;
	p2 =	por !p2, p0  }
0x20: {  	[sflag:s8] =	ssyncset.s32 @!p0 $0xFFFFF086;
	s6 =	sadd.s32 @!p0 s3, s7;
	s7 =	simm.s32 @!p0 $0x108  }
0x21: {  	s3 =	sadd.s32 s3, s9;
	s6 =	sadd.s32 @!p0 $0x88, s6;
	s7 =	simm.s32 @p2 $0x1082  }
0x22: {  	[simem:s7], [sflag:s8] =	dma.local @!p0 [hbm:s6], $0xF7A  }
0x23: {  	s9 =	sor.u32 $0xD0000000, s2;
	s6 =	simm.s32 $0x108;
	_ =	swait.ge @!p0 [sflag:s8], $0x0  }
0x24: {  	s3 =	sadd.s32 $0x88, s3;
	s6 =	simm.s32 @!p1 $0x1082;
	[sflag:s4] =	ssyncset.s32 $0xFFFFF086  }
0x25: {  	[simem:s6], [sflag:s4] =	dma.local [hbm:s3], $0xF7A  }
0x26: {  	[smem:$0x3F9E] =	sst s1;
	(tag) =	ssettag s2;
	_ =	strace s9  }
0x27: {  	s1 =	sld [smem:$0x3FAE]  }
0x28: {  	s2 =	sld [smem:$0x3FAF]  }
0x29: {  	s4 =	sld [smem:$0x3FB1]  }
0x2a: {  	p0 =	seq.s32 s5, $0x0;
	s5 =	sld [smem:$0x3FB2]  }
0x2b: {  	s6 =	sld [smem:$0x3FB3]  }
0x2c: {  	s7 =	sld [smem:$0x3FB4]  }
0x2d: {  	s3 =	simm.s32 $0x108;
	s8 =	sld [smem:$0x3FB5]  }
0x2e: {  	s3 =	simm.s32 @!p0 $0x1082;
	s9 =	sld [smem:$0x3FB6]  }
0x2f: {  	lr =	sadd.s32 s0, s3;
	s0 =	sld [smem:$0x3FAD]  }
0x30: {  	s3 =	sld [smem:$0x3FB0]  }
0x31: {  	[smem:$0x3FB9] =	sst s10  }
0x32: {  	s10 =	sld [smem:$0x3FB7];
	_ =	sdelay $0x3  }
0x33: {  	p0 =	seq.s32 s10, $0x1;
	s10 =	sld [smem:$0x3FB9];
	_ =	sdelay $0x3  }
0x34: {  	[smem:$0x3FB9] =	sst s10  }
0x35: {  	s10 =	sld [smem:$0x3FB8];
	_ =	sdelay $0x3  }
0x36: {  	p1 =	seq.s32 s10, $0x1;
	s10 =	sld [smem:$0x3FB9];
	_ =	sdelay $0x3  }
0x37: {  	[smem:$0x3FB9] =	sst s10  }
0x38: {  	s10 =	sld [smem:$0x3FBA]  }
0x39: {  	_ = 	snop;
	(pc) =	sbr.ind lr, $3  }
0x3a: {  	_ = 	snop  }
0x3b: {  	_ = 	snop  }
0x3c: {  	p2 =	seq.s32 s10, $0x1;
	s10 =	sld [smem:$0x3FB9]  }
0x3d: {  	_ =	shalt  }
0x3e: {  	_ =	shalt  }
0x3f: {  	_ =	shalt  }
0x40: {  	_ =	shalt  }
0x41: {  	_ =	shalt  }
0x42: {  	_ =	shalt  }
0x43: {  	_ =	shalt  }
0x44: {  	_ =	shalt  }
0x45: {  	_ =	shalt  }
0x46: {  	_ =	shalt  }
0x47: {  	_ =	shalt  }
0x48: {  	_ =	shalt  }
0x49: {  	_ =	shalt  }
0x4a: {  	_ =	shalt  }
0x4b: {  	_ =	shalt  }
0x4c: {  	_ =	shalt  }
0x4d: {  	_ =	shalt  }
0x4e: {  	_ =	shalt  }
0x4f: {  	_ =	shalt  }
0x50: {  	_ =	shalt  }
0x51: {  	_ =	shalt  }
0x52: {  	_ =	shalt  }
0x53: {  	_ =	shalt  }
0x54: {  	_ =	shalt  }
0x55: {  	_ =	shalt  }
0x56: {  	_ =	shalt  }
0x57: {  	_ =	shalt  }
0x58: {  	_ =	shalt  }
0x59: {  	_ =	shalt  }
0x5a: {  	_ =	shalt  }
0x5b: {  	_ =	shalt  }
0x5c: {  	_ =	shalt  }
0x5d: {  	_ =	shalt  }
0x5e: {  	_ =	shalt  }
0x5f: {  	_ =	shalt  }
0x60: {  	_ =	shalt  }
0x61: {  	_ =	shalt  }
0x62: {  	_ =	shalt  }
0x63: {  	_ =	shalt  }
0x64: {  	_ =	shalt  }
0x65: {  	_ =	shalt  }
0x66: {  	_ =	shalt  }
0x67: {  	_ =	shalt  }
0x68: {  	_ =	shalt  }
0x69: {  	_ =	shalt  }
0x6a: {  	_ =	shalt  }
0x6b: {  	_ =	shalt  }
0x6c: {  	_ =	shalt  }
0x6d: {  	_ =	shalt  }
0x6e: {  	_ =	shalt  }
0x6f: {  	_ =	shalt  }
0x70: {  	_ =	shalt  }
0x71: {  	_ =	shalt  }
0x72: {  	_ =	shalt  }
0x73: {  	_ =	shalt  }
0x74: {  	_ =	shalt  }
0x75: {  	_ =	shalt  }
0x76: {  	_ =	shalt  }
0x77: {  	_ =	shalt  }
0x78: {  	_ =	shalt  }
0x79: {  	_ =	shalt  }
0x7a: {  	_ =	shalt  }
0x7b: {  	_ =	shalt  }
0x7c: {  	_ =	shalt  }
0x7d: {  	_ =	shalt  }
0x7e: {  	_ =	shalt  }
0x7f: {  	_ =	shalt  }
0x80: {  	_ =	shalt  }
0x81: {  	_ =	shalt  }
0x82: {  	_ =	shalt  }
0x83: {  	_ =	shalt  }
0x84: {  	_ =	shalt  }
0x85: {  	_ =	shalt  }
0x86: {  	_ =	shalt  }
0x87: {  	_ =	shalt  }
.Lfunc_end0:
.L_simem_size_0:
called_computation_lowered:
.L_overlay_start_0:
0x88: {  	s2 =	sld [smem:$0x3FD9]  }
0x89: {  	s3 =	sld [smem:$0x3FFE];
	_ =	sdelay $0x1  }
0x8a: {  	s1 =	srdreg.scid  }
0x8b: {  	s0 =	sand.u32 $0x1, s1  }
0x8c: {  	s17 =	sshll.u32 s0, $0xA;
	s2 =	sadd.s32 s3, s2  }
0x8d: {  	s2 =	sadd.s32 s2, s17  }
0x8e: {  	[smem:$0x3FC5] =	sst s2  }
0x8f: {  	_ = 	snop  }
0x90: {  	s2 =	sld [smem:$0x3FD0];
	(tm) =	ssettm $0x1  }
0x91: {  	s18 =	sld [smem:$0x3FFB];
	_ =	sdelay $0x3  }
0x92: {  	_ =	strace s18  }
0x93: {  	s3 =	sld [smem:$0x3FFC];
	_ =	sdelay $0x3  }
0x94: {  	_ =	strace s3  }
0x95: {  	s3 =	sld [smem:$0x3FFD];
	_ =	sdelay $0x3  }
0x96: {  	_ =	strace s3  }
0x97: {  	_ =	strace $0x8FFFFFFF  }
0x98: {  	s19 =	sld [smem:$0x3FDB];
	_ =	sdelay $0x1  }
0x99: {  	s4 =	simm.s32 $_scs_section_size  }
0x9a: {  	s5 =	simm.s32 $_size__tile_overlayer_lowered;
	s6 =	simm.s32 $_tile_overlayer_lowered  }
0x9b: {  	s22 =	simm.s32 $0x1BFF;
	s21 =	sshll.u32 s6, $0x1;
	s3 =	sadd.s32 s4, s19  }
0x9c: {  	s7 =	simm.s32 $0x0;
	s20 =	sshll.u32 s5, $0x1;
	s5 =	sadd.s32 s21, s3  }
0x9d: {  	[timem:s7], [sflag:s22] =	dma.local [hbm:s5], s20  }
0x9e: {  	_ =	swait.ge [sflag:s22], s20  }
0x9f: {  	s4 =	ssub.s32 $0x0, s20;
	[sflag:s22] =	ssyncset.done $0x0  }
0xa0: {  	[sflag:s22] =	ssyncadd.s32 s4;
	_ =	sdelay $0x1  }
0xa1: {  	s23 =	simm.s32 $0x1B8B  }
0xa2: {  	_ =	swait.ge [sflag:s23], $0x1  }
0xa3: {  	[sflag:s23] =	ssyncset.done $0x0  }
0xa4: {  	s25 =	simm.s32 $0x1B8E;
	s24 =	sld [smem:$0x3FFE];
	[sflag:s23] =	ssyncadd.s32 $0xFFFFFFFF  }
0xa5: {  	s26 =	simm.s32 $execute0_lowered;
	[smem:$0x3FD2] =	sst s25  }
0xa6: {  	s5 =	sshll.u32 s26, $0x1;
	_ =	strace $0x80000046;
	[dreg:$0x1] =	wrdreg $0xFFFFFFFF  }
0xa7: {  	s28 =	simm.s32 $_size_execute0_lowered;
	s3 =	sadd.s32 s3, s5;
	[dreg:$0x0] =	wrdreg $0x0  }
0xa8: {  	s5 =	sshll.u32 s28, $0x1;
	[dreg:$0x2] =	wrdreg s3  }
0xa9: {  	[dreg:$0x3] =	wrdreg s5  }
0xaa: {  	[dreg:$0x4] =	wrdreg $0xC0  }
0xab: {  	_ =	task [dreg:s7], $0x5FFFF  }
0xac: {  	[dreg:$0x1] =	wrdreg $0xFFFFFFFF  }
0xad: {  	[dreg:$0x0] =	wrdreg $0x60  }
0xae: {  	[dreg:$0x2] =	wrdreg s2  }
0xaf: {  	[dreg:$0x3] =	wrdreg s24  }
0xb0: {  	[dreg:$0x4] =	wrdreg $0x120400  }
0xb1: {  	[dreg:$0x5] =	wrdreg $0x9  }
0xb2: {  	_ =	task.clear_ibuf [dreg:s7], $0x6FFFF;
	_ =	strace $0x90000046  }
0xb3: {  	s29 =	simm.s32 $0x9;
	_ =	strace $0x80000048  }
0xb4: {  	_ =	swait.ge [sflag:s29], $0x1  }
0xb5: {  	[sflag:s29] =	ssyncadd.s32 $0xFFFFFFFF  }
0xb6: {  	_ =	strace $0x90000048  }
0xb7: {  	_ =	sfence  }
0xb8: {  	s30 =	sld [smem:$0x0];
	_ =	sdelay $0x2  }
0xb9: {  	s31 =	sshll.u32 s1, $0xD;
	s1 =	sshrl.u32 s1, $0x2  }
0xba: {  	s3 =	sand.u32 $0x4000, s31;
	s1 =	sadd.s32 s1, s30  }
0xbb: {  	s0 =	sor.u32 s3, s0;
	s1 =	sshll.u32 s1, $0x11  }
0xbc: {  	s0 =	sor.u32 s1, s0  }
0xbd: {  	s0 =	sadd.s32 $0x8F2B, s0  }
0xbe: {  	[sflag:s0] =	ssyncadd.remote.s32 $0x1  }
0xbf: {  	_ =	sfence.sel $0xFFFF  }
0xc0: {  	[dreg:$0x0] =	wrdreg $0xFFFFFFFF;
	(pc) =	sbr.abs _section_cstart, $3  }
0xc1: {  	[dreg:$0x1] =	wrdreg $0xFFFFFFFF  }
0xc2: {  	_ =	task.clear_ibuf [dreg:s7], $0x2FFFF;
	_ =	strace $0x9FFFFFFF  }
0xc3: {  	(tm) =	ssettm $0x7FFFFFFF  }
tec
execute0_lowered:
.L_overlay_start_1:
0x0: {  	(tag) =	ssettag $0x1  }
0x1: {  	s1 =	rddreg [dreg:$0x0]  }
0x2: {  	s0 =	rddreg [dreg:$0x1];
	s2 =	srdreg.scid  }
0x3: {  	s8 =	stileid.u32;
	s3 =	rddreg [dreg:$0x2];
	s6 =	simm.s32 $0x0  }
0x4: {  	s17 =	simm.s32 $0x1;
	s18 =	simm.s32 $0x2;
	s29 =	simm.s32 $0xD840  }
0x5: {  	s31 =	simm.s32 $0xEC40;
	s13 =	simm.s32 $0x7;
	s14 =	simm.s32 $0x8  }
0x6: {  	s15 =	simm.s32 $0x9;
	s30 =	simm.s32 $0x0;
	s4 =	smul.u32 $0x27000, s8  }
0x7: {  	s2 =	sand.u32 $0x1, s2;
	[smem:$0x7FF] =	sst s6;
	s21 =	smul.u32 $0x4E20, s8  }
0x8: {  	s5 =	sshll.u32 s2, $0x7;
	_ =	strace $0x80000047;
	s7 =	ssub.s32 $0x2, s2  }
0x9: {  	p0 =	seq.s32 s2, $0x1;
	s2 =	simm.s32 $0x14A00;
	s5 =	sor.u32 s5, s4  }
0xa: {  	s20 =	sshrl.u32 s7, $0x1;
	s4 =	sshrl.u32 s4, $0x2;
	s22 =	sshrl.u32 s21, $0x3  }
0xb: {  	s2 =	simm.s32 @!p0 $0x1000;
	s21 =	simm.s32 $0x50;
	s19 =	sshrl.u32 s5, $0x3  }
0xc: {  	s5 =	sadd.s32 $0x28400, s0;
	s12 =	ssub.s32 s7, s20;
	s6 =	sadd.s32 s4, s3  }
0xd: {  	s20 =	simm.s32 $0xB;
	s4 =	simm.s32 $0x5;
	s11 =	sadd.s32 s19, s0  }
0xe: {  	s28 =	sadd.s32 $0x2000, s6;
	s23 =	sadd.s32 $0x4000, s6;
	s9 =	sadd.s32 $0x6000, s6  }
0xf: {  	s0 =	sadd.s32 s2, s0;
	s10 =	sadd.s32 $0x8000, s6;
	s26 =	smax.u32 s12, $0x1  }
0x10: {  	s19 =	simm.s32 $0x10040;
	s2 =	simm.s32 $0x3;
	[dreg:$0x4] =	wrdreg s23  }
0x11: {  	s24 =	sadd.s32 $0x3BE00, s11;
	s0 =	sadd.s32 s0, s22;
	[dreg:$0x8] =	wrdreg s26  }
0x12: {  	s25 =	sadd.s32 $0x3BE08, s11;
	s22 =	simm.s32 $0x9C40;
	[dreg:$0x5] =	wrdreg s24  }
0x13: {  	s26 =	simm.s32 $0xC440;
	s11 =	simm.s32 $0x6;
	[dreg:$0x7] =	wrdreg s25  }
0x14: {  	s23 =	simm.s32 $0xA;
	[dreg:$0x6] =	wrdreg s0;
	s0 =	sadd.s32 $0x9C40, s0  }
0x15: {  	v0 =	vimm.f32 $0.0e+00;
	s24 =	simm.s32 $0xB040;
	[dreg:$0x9] =	wrdreg s0;
	s0 =	simm.s32 $0x4  }
.LBB2_1:
0x16: {  	s7 =	simm.s32 $0x0;
	s8 =	rddreg [dreg:$0x6]  }
0x17: {  	[tilespmem:s7], [sflag:$0x1] =	stream.linear.gather [hbm4b:s8+s7], $0x4E20, $0x38;
	[tilespmem:$0x1BC80] =	vst v63  }
0x18: {  	s25 =	rddreg [dreg:$0x9];
	s12 =	simm.s32 $0x4E20  }
0x19: {  	[tilespmem:s12], [sflag:$0x2] =	stream.linear.gather [hbm4b:s25+s7], $0x4E20, $0x38;
	[tilespmem:$0x1BC80] =	vst v63  }
0x1a: {  	s16 =	simm.s32 $0x100;
	s12 =	simm.s32 $0x0  }
.LBB2_2:
0x1b: {  	p0 =	sne.s32 s16, $0x7F00;
	[tilespmem:s12+$0x10070] =	vst v0;
	s25 =	smov.u32 s16;
	s16 =	sadd.s32 $0x100, s16  }
.Ltmp0:
0x1c: {  	[tilespmem:s12+$0x10060] =	vst v0;
	(pc) =	sbr.rel @p0 .LBB2_2-.Ltmp0, $3  }
0x1d: {  	[tilespmem:s12+$0x10040] =	vst v0  }
0x1e: {  	[tilespmem:s12+$0x10050] =	vst v0;
	_ =	sdelay $0x1  }
0x1f: {  	s12 =	sshra.s32 s25, $0x2  }
0x20: {  	[tilespmem:s12+$0x10070] =	vst v0  }
0x21: {  	[tilespmem:s12+$0x10060] =	vst v0  }
0x22: {  	[tilespmem:s12+$0x10040] =	vst v0  }
0x23: {  	[tilespmem:s12+$0x10050] =	vst v0  }
0x24: {  	_ =	swait.ge [sflag:s17], $0x4E20  }
0x25: {  	[sflag:s17] =	ssyncset.done $0x0  }
0x26: {  	[sflag:s17] =	ssyncadd.s32 $0xFFFFB1E0  }
0x27: {  	_ =	swait.ge [sflag:s18], $0x4E20  }
0x28: {  	[sflag:s18] =	ssyncset.done $0x0  }
0x29: {  	[sflag:s18] =	ssyncadd.s32 $0xFFFFB1E0  }
0x2a: {  	[spmem:s6] =	stream.linear.scatter [tilespmem:s19], [sflag:$0xB], $0x2000, $0x38;
	[tilespmem:$0x1BC80] =	vst v63  }
0x2b: {  	_ =	swait.ge [sflag:s20], $0x2000  }
0x2c: {  	[sflag:s20] =	ssyncset.done $0x0  }
0x2d: {  	[sflag:s20] =	ssyncadd.s32 $0xFFFFE000  }
0x2e: {  	[spmem:s28] =	stream.linear.scatter [tilespmem:s19], [sflag:$0xB], $0x2000, $0x38;
	[tilespmem:$0x1BC80] =	vst v63  }
0x2f: {  	_ =	swait.ge [sflag:s20], $0x2000  }
0x30: {  	[sflag:s20] =	ssyncset.done $0x0  }
0x31: {  	s7 =	rddreg [dreg:$0x4];
	[sflag:s20] =	ssyncadd.s32 $0xFFFFE000  }
0x32: {  	[spmem:s7] =	stream.linear.scatter [tilespmem:s19], [sflag:$0xB], $0x2000, $0x38;
	[tilespmem:$0x1BC80] =	vst v63  }
0x33: {  	_ =	swait.ge [sflag:s20], $0x2000  }
0x34: {  	[sflag:s20] =	ssyncset.done $0x0  }
0x35: {  	[sflag:s20] =	ssyncadd.s32 $0xFFFFE000  }
0x36: {  	[spmem:s9] =	stream.linear.scatter [tilespmem:s19], [sflag:$0xB], $0x2000, $0x38;
	[tilespmem:$0x1BC80] =	vst v63  }
0x37: {  	_ =	swait.ge [sflag:s20], $0x2000  }
0x38: {  	[sflag:s20] =	ssyncset.done $0x0  }
0x39: {  	[sflag:s20] =	ssyncadd.s32 $0xFFFFE000  }
0x3a: {  	[spmem:s10] =	stream.linear.scatter [tilespmem:s19], [sflag:$0xB], $0x2000, $0x38;
	[tilespmem:$0x1BC80] =	vst v63  }
0x3b: {  	_ =	swait.ge [sflag:s20], $0x2000  }
0x3c: {  	[sflag:s20] =	ssyncset.done $0x0  }
0x3d: {  	[sflag:s20] =	ssyncadd.s32 $0xFFFFE000  }
0x3e: {  	s16 =	simm.s32 $0x4E20;
	[bflag:$0x0] =	sbarrier.arrive $0xFFFF  }
0x3f: {  	[tilespmem:s22], [sflag:$0x1] =	stream.indirect.gather [hbm4b:s1+s21], $0x40, s16, s21, $0xb8;
	[tilespmem:$0x1BC80] =	vst v63  }
0x40: {  	s25 =	simm.s32 $0x4E70  }
0x41: {  	[tilespmem:s24], [sflag:$0x2] =	stream.indirect.gather [hbm4b:s1+s21], $0x40, s25, s21, $0xb8;
	[tilespmem:$0x1BC80] =	vst v63  }
0x42: {  	s8 =	simm.s32 $0x4EC0  }
0x43: {  	[tilespmem:s26], [sflag:$0x3] =	stream.indirect.gather [hbm4b:s1+s21], $0x40, s8, s21, $0xb8;
	[tilespmem:$0x1BC80] =	vst v63  }
0x44: {  	s12 =	simm.s32 $0x4F10  }
0x45: {  	[tilespmem:s29], [sflag:$0x4] =	stream.indirect.gather [hbm4b:s1+s21], $0x40, s12, s21, $0xb8;
	[tilespmem:$0x1BC80] =	vst v63  }
0x46: {  	s16 =	simm.s32 $0x4F60  }
0x47: {  	[tilespmem:s31], [sflag:$0x5] =	stream.indirect.gather [hbm4b:s1+s21], $0x40, s16, s21, $0xb8;
	[tilespmem:$0x1BC80] =	vst v63  }
0x48: {  	_ =	swait.ge [sflag:s17], $0x1400  }
0x49: {  	[sflag:s17] =	ssyncset.done $0x0  }
0x4a: {  	s25 =	simm.s32 $0x0;
	[sflag:s17] =	ssyncadd.s32 $0xFFFFEC00  }
0x4b: {  	[spmem:s3] =	stream.indirect.scatter.add.f32 [tilespmem:s22], [sflag:$0x6], $0x40, s25, s21, $0xb8;
	[tilespmem:$0x1BC80] =	vst v63  }
0x4c: {  	_ =	swait.ge [sflag:s18], $0x1400  }
0x4d: {  	[sflag:s18] =	ssyncset.done $0x0  }
0x4e: {  	s7 =	simm.s32 $0x50;
	[sflag:s18] =	ssyncadd.s32 $0xFFFFEC00  }
0x4f: {  	[spmem:s3] =	stream.indirect.scatter.add.f32 [tilespmem:s24], [sflag:$0x7], $0x40, s7, s21, $0xb8;
	[tilespmem:$0x1BC80] =	vst v63  }
0x50: {  	_ =	swait.ge [sflag:s2], $0x1400  }
0x51: {  	[sflag:s2] =	ssyncset.done $0x0  }
0x52: {  	s8 =	simm.s32 $0xA0;
	[sflag:s2] =	ssyncadd.s32 $0xFFFFEC00  }
0x53: {  	[spmem:s3] =	stream.indirect.scatter.add.f32 [tilespmem:s26], [sflag:$0x8], $0x40, s8, s21, $0xb8;
	[tilespmem:$0x1BC80] =	vst v63  }
0x54: {  	_ =	swait.ge [sflag:s0], $0x1400  }
0x55: {  	[sflag:s0] =	ssyncset.done $0x0  }
0x56: {  	s16 =	simm.s32 $0xF0;
	[sflag:s0] =	ssyncadd.s32 $0xFFFFEC00  }
0x57: {  	[spmem:s3] =	stream.indirect.scatter.add.f32 [tilespmem:s29], [sflag:$0x9], $0x40, s16, s21, $0xb8;
	[tilespmem:$0x1BC80] =	vst v63  }
0x58: {  	_ =	swait.ge [sflag:s4], $0x1400  }
0x59: {  	[sflag:s4] =	ssyncset.done $0x0  }
0x5a: {  	s25 =	simm.s32 $0x140;
	[sflag:s4] =	ssyncadd.s32 $0xFFFFEC00  }
0x5b: {  	[spmem:s3] =	stream.indirect.scatter.add.f32 [tilespmem:s31], [sflag:$0xA], $0x40, s25, s21, $0xb8;
	[tilespmem:$0x1BC80] =	vst v63  }
0x5c: {  	_ =	swait.ge [sflag:s11], $0x1400  }
0x5d: {  	[sflag:s11] =	ssyncset.done $0x0  }
0x5e: {  	s7 =	simm.s32 $0x4FB0;
	[sflag:s11] =	ssyncadd.s32 $0xFFFFEC00  }
0x5f: {  	[tilespmem:s22], [sflag:$0x1] =	stream.indirect.gather [hbm4b:s1+s21], $0x40, s7, s21, $0xb8;
	[tilespmem:$0x1BC80] =	vst v63  }
0x60: {  	_ =	swait.ge [sflag:s13], $0x1400  }
0x61: {  	[sflag:s13] =	ssyncset.done $0x0  }
0x62: {  	s8 =	simm.s32 $0x5000;
	[sflag:s13] =	ssyncadd.s32 $0xFFFFEC00  }
0x63: {  	[tilespmem:s24], [sflag:$0x2] =	stream.indirect.gather [hbm4b:s1+s21], $0x40, s8, s21, $0xb8;
	[tilespmem:$0x1BC80] =	vst v63  }
0x64: {  	_ =	swait.ge [sflag:s14], $0x1400  }
0x65: {  	[sflag:s14] =	ssyncset.done $0x0  }
0x66: {  	s16 =	simm.s32 $0x5050;
	[sflag:s14] =	ssyncadd.s32 $0xFFFFEC00  }
0x67: {  	[tilespmem:s26], [sflag:$0x3] =	stream.indirect.gather [hbm4b:s1+s21], $0x40, s16, s21, $0xb8;
	[tilespmem:$0x1BC80] =	vst v63  }
0x68: {  	_ =	swait.ge [sflag:s15], $0x1400  }
0x69: {  	[sflag:s15] =	ssyncset.done $0x0  }
0x6a: {  	s25 =	simm.s32 $0x50A0;
	[sflag:s15] =	ssyncadd.s32 $0xFFFFEC00  }
0x6b: {  	[tilespmem:s29], [sflag:$0x4] =	stream.indirect.gather [hbm4b:s1+s21], $0x40, s25, s21, $0xb8;
	[tilespmem:$0x1BC80] =	vst v63  }
0x6c: {  	_ =	swait.ge [sflag:s23], $0x1400  }
0x6d: {  	[sflag:s23] =	ssyncset.done $0x0  }
0x6e: {  	s12 =	simm.s32 $0x640;
	s16 =	simm.s32 $0x50F0;
	[sflag:s23] =	ssyncadd.s32 $0xFFFFEC00  }
.LBB2_4:
0x6f: {  	[tilespmem:s31], [sflag:$0x5] =	stream.indirect.gather [hbm4b:s1+s21], $0x40, s16, s21, $0xb8;
	[tilespmem:$0x1BC80] =	vst v63  }
0x70: {  	s16 =	smov.u32 s12  }
0x71: {  	p0 =	sne.s32 s12, $0x12C00;
	s12 =	sadd.s32 $0x640, s12;
	_ =	swait.ge [sflag:s17], $0x1400  }
0x72: {  	[sflag:s17] =	ssyncset.done $0x0  }
0x73: {  	s25 =	sshra.s32 s16, $0x2;
	[sflag:s17] =	ssyncadd.s32 $0xFFFFEC00  }
0x74: {  	[spmem:s3] =	stream.indirect.scatter.add.f32 [tilespmem:s22], [sflag:$0x6], $0x40, s25, s21, $0xb8;
	[tilespmem:$0x1BC80] =	vst v63  }
0x75: {  	_ =	swait.ge [sflag:s18], $0x1400  }
0x76: {  	[sflag:s18] =	ssyncset.done $0x0  }
0x77: {  	s16 =	sadd.s32 $0x50, s25;
	[sflag:s18] =	ssyncadd.s32 $0xFFFFEC00  }
0x78: {  	[spmem:s3] =	stream.indirect.scatter.add.f32 [tilespmem:s24], [sflag:$0x7], $0x40, s16, s21, $0xb8;
	[tilespmem:$0x1BC80] =	vst v63  }
0x79: {  	_ =	swait.ge [sflag:s2], $0x1400  }
0x7a: {  	[sflag:s2] =	ssyncset.done $0x0  }
0x7b: {  	s16 =	sadd.s32 $0xA0, s25;
	[sflag:s2] =	ssyncadd.s32 $0xFFFFEC00  }
0x7c: {  	[spmem:s3] =	stream.indirect.scatter.add.f32 [tilespmem:s26], [sflag:$0x8], $0x40, s16, s21, $0xb8;
	[tilespmem:$0x1BC80] =	vst v63  }
0x7d: {  	_ =	swait.ge [sflag:s0], $0x1400  }
0x7e: {  	[sflag:s0] =	ssyncset.done $0x0  }
0x7f: {  	s16 =	sadd.s32 $0xF0, s25;
	[sflag:s0] =	ssyncadd.s32 $0xFFFFEC00  }
0x80: {  	[spmem:s3] =	stream.indirect.scatter.add.f32 [tilespmem:s29], [sflag:$0x9], $0x40, s16, s21, $0xb8;
	[tilespmem:$0x1BC80] =	vst v63  }
0x81: {  	_ =	swait.ge [sflag:s4], $0x1400  }
0x82: {  	[sflag:s4] =	ssyncset.done $0x0  }
0x83: {  	s16 =	sadd.s32 $0x140, s25;
	[sflag:s4] =	ssyncadd.s32 $0xFFFFEC00  }
0x84: {  	[spmem:s3] =	stream.indirect.scatter.add.f32 [tilespmem:s31], [sflag:$0xA], $0x40, s16, s21, $0xb8;
	[tilespmem:$0x1BC80] =	vst v63  }
0x85: {  	_ =	swait.ge [sflag:s11], $0x1400  }
0x86: {  	[sflag:s11] =	ssyncset.done $0x0  }
0x87: {  	s16 =	sadd.s32 $0x4FB0, s25;
	[sflag:s11] =	ssyncadd.s32 $0xFFFFEC00  }
0x88: {  	[tilespmem:s22], [sflag:$0x1] =	stream.indirect.gather [hbm4b:s1+s21], $0x40, s16, s21, $0xb8;
	[tilespmem:$0x1BC80] =	vst v63  }
0x89: {  	_ =	swait.ge [sflag:s13], $0x1400  }
0x8a: {  	[sflag:s13] =	ssyncset.done $0x0  }
0x8b: {  	s16 =	sadd.s32 $0x5000, s25;
	[sflag:s13] =	ssyncadd.s32 $0xFFFFEC00  }
0x8c: {  	[tilespmem:s24], [sflag:$0x2] =	stream.indirect.gather [hbm4b:s1+s21], $0x40, s16, s21, $0xb8;
	[tilespmem:$0x1BC80] =	vst v63  }
0x8d: {  	_ =	swait.ge [sflag:s14], $0x1400  }
0x8e: {  	[sflag:s14] =	ssyncset.done $0x0  }
0x8f: {  	s16 =	sadd.s32 $0x5050, s25;
	[sflag:s14] =	ssyncadd.s32 $0xFFFFEC00  }
0x90: {  	[tilespmem:s26], [sflag:$0x3] =	stream.indirect.gather [hbm4b:s1+s21], $0x40, s16, s21, $0xb8;
	[tilespmem:$0x1BC80] =	vst v63  }
0x91: {  	_ =	swait.ge [sflag:s15], $0x1400  }
0x92: {  	[sflag:s15] =	ssyncset.done $0x0  }
.Ltmp1:
0x93: {  	s16 =	sadd.s32 $0x50A0, s25;
	[sflag:s15] =	ssyncadd.s32 $0xFFFFEC00;
	(pc) =	sbr.rel @p0 .LBB2_4-.Ltmp1, $4  }
0x94: {  	[tilespmem:s29], [sflag:$0x4] =	stream.indirect.gather [hbm4b:s1+s21], $0x40, s16, s21, $0xb8;
	[tilespmem:$0x1BC80] =	vst v63  }
0x95: {  	_ =	swait.ge [sflag:s23], $0x1400  }
0x96: {  	[sflag:s23] =	ssyncset.done $0x0  }
0x97: {  	s16 =	sadd.s32 $0x50F0, s25;
	[sflag:s23] =	ssyncadd.s32 $0xFFFFEC00  }
0x98: {  	[tilespmem:s31], [sflag:$0x5] =	stream.indirect.gather [hbm4b:s1+s21], $0x40, s16, s21, $0xb8;
	[tilespmem:$0x1BC80] =	vst v63  }
0x99: {  	_ =	swait.ge [sflag:s17], $0x1400  }
0x9a: {  	[sflag:s17] =	ssyncset.done $0x0  }
0x9b: {  	s7 =	simm.s32 $0x4C90;
	[sflag:s17] =	ssyncadd.s32 $0xFFFFEC00  }
0x9c: {  	[spmem:s3] =	stream.indirect.scatter.add.f32 [tilespmem:s22], [sflag:$0x6], $0x40, s7, s21, $0xb8;
	[tilespmem:$0x1BC80] =	vst v63  }
0x9d: {  	_ =	swait.ge [sflag:s18], $0x1400  }
0x9e: {  	[sflag:s18] =	ssyncset.done $0x0  }
0x9f: {  	s12 =	simm.s32 $0x4CE0;
	[sflag:s18] =	ssyncadd.s32 $0xFFFFEC00  }
0xa0: {  	[spmem:s3] =	stream.indirect.scatter.add.f32 [tilespmem:s24], [sflag:$0x7], $0x40, s12, s21, $0xb8;
	[tilespmem:$0x1BC80] =	vst v63  }
0xa1: {  	_ =	swait.ge [sflag:s2], $0x1400  }
0xa2: {  	[sflag:s2] =	ssyncset.done $0x0  }
0xa3: {  	s16 =	simm.s32 $0x4D30;
	[sflag:s2] =	ssyncadd.s32 $0xFFFFEC00  }
0xa4: {  	[spmem:s3] =	stream.indirect.scatter.add.f32 [tilespmem:s26], [sflag:$0x8], $0x40, s16, s21, $0xb8;
	[tilespmem:$0x1BC80] =	vst v63  }
0xa5: {  	_ =	swait.ge [sflag:s0], $0x1400  }
0xa6: {  	[sflag:s0] =	ssyncset.done $0x0  }
0xa7: {  	s25 =	simm.s32 $0x4D80;
	[sflag:s0] =	ssyncadd.s32 $0xFFFFEC00  }
0xa8: {  	[spmem:s3] =	stream.indirect.scatter.add.f32 [tilespmem:s29], [sflag:$0x9], $0x40, s25, s21, $0xb8;
	[tilespmem:$0x1BC80] =	vst v63  }
0xa9: {  	_ =	swait.ge [sflag:s4], $0x1400  }
0xaa: {  	[sflag:s4] =	ssyncset.done $0x0  }
0xab: {  	s8 =	simm.s32 $0x4DD0;
	[sflag:s4] =	ssyncadd.s32 $0xFFFFEC00  }
0xac: {  	[spmem:s3] =	stream.indirect.scatter.add.f32 [tilespmem:s31], [sflag:$0xA], $0x40, s8, s21, $0xb8;
	[tilespmem:$0x1BC80] =	vst v63  }
0xad: {  	_ =	swait.ge [sflag:s11], $0x1400  }
0xae: {  	[sflag:s11] =	ssyncset.done $0x0  }
0xaf: {  	[sflag:s11] =	ssyncadd.s32 $0xFFFFEC00  }
0xb0: {  	_ =	swait.ge [sflag:s13], $0x1400  }
0xb1: {  	[sflag:s13] =	ssyncset.done $0x0  }
0xb2: {  	[sflag:s13] =	ssyncadd.s32 $0xFFFFEC00  }
0xb3: {  	_ =	swait.ge [sflag:s14], $0x1400  }
0xb4: {  	[sflag:s14] =	ssyncset.done $0x0  }
0xb5: {  	[sflag:s14] =	ssyncadd.s32 $0xFFFFEC00  }
0xb6: {  	_ =	swait.ge [sflag:s15], $0x1400  }
0xb7: {  	[sflag:s15] =	ssyncset.done $0x0  }
0xb8: {  	[sflag:s15] =	ssyncadd.s32 $0xFFFFEC00  }
0xb9: {  	_ =	swait.ge [sflag:s23], $0x1400  }
0xba: {  	s12 =	stileid.u32;
	[sflag:s23] =	ssyncset.done $0x0  }
0xbb: {  	s12 =	sshll.u32 s12, $0x6;
	[sflag:s23] =	ssyncadd.s32 $0xFFFFEC00  }
0xbc: {  	s12 =	sor.u32 $0x1C0B, s12;
	[bflag:$0x0] =	sbarrier.arrive $0xFFFF  }
0xbd: {  	s25 =	sshrl.u32 s6, $0x3;
	s8 =	simm.s32 $0x20;
	s16 =	rddreg [dreg:$0x5]  }
0xbe: {  	[hbm:s16@s8], [sflag:s12] =	dma.strided [spmem:s25@s14], $0x1400, s17, $0x8   }
0xbf: {  	_ =	swait.ge [sflag:s20], $0x1400  }
0xc0: {  	[sflag:s20] =	ssyncset.done $0x0  }
0xc1: {  	[sflag:s20] =	ssyncadd.s32 $0xFFFFEC00  }
0xc2: {  	[bflag:$0x0] =	sbarrier.arrive $0xFFFF  }
0xc3: {  	[spmem:s6] =	stream.linear.scatter [tilespmem:s19], [sflag:$0xB], $0x2000, $0x38;
	[tilespmem:$0x1BC80] =	vst v63  }
0xc4: {  	_ =	swait.ge [sflag:s20], $0x2000  }
0xc5: {  	[sflag:s20] =	ssyncset.done $0x0  }
0xc6: {  	[sflag:s20] =	ssyncadd.s32 $0xFFFFE000  }
0xc7: {  	[spmem:s28] =	stream.linear.scatter [tilespmem:s19], [sflag:$0xB], $0x2000, $0x38;
	[tilespmem:$0x1BC80] =	vst v63  }
0xc8: {  	_ =	swait.ge [sflag:s20], $0x2000  }
0xc9: {  	[sflag:s20] =	ssyncset.done $0x0  }
0xca: {  	s16 =	rddreg [dreg:$0x4];
	[sflag:s20] =	ssyncadd.s32 $0xFFFFE000  }
0xcb: {  	[spmem:s16] =	stream.linear.scatter [tilespmem:s19], [sflag:$0xB], $0x2000, $0x38;
	[tilespmem:$0x1BC80] =	vst v63  }
0xcc: {  	_ =	swait.ge [sflag:s20], $0x2000  }
0xcd: {  	[sflag:s20] =	ssyncset.done $0x0  }
0xce: {  	[sflag:s20] =	ssyncadd.s32 $0xFFFFE000  }
0xcf: {  	[spmem:s9] =	stream.linear.scatter [tilespmem:s19], [sflag:$0xB], $0x2000, $0x38;
	[tilespmem:$0x1BC80] =	vst v63  }
0xd0: {  	_ =	swait.ge [sflag:s20], $0x2000  }
0xd1: {  	[sflag:s20] =	ssyncset.done $0x0  }
0xd2: {  	[sflag:s20] =	ssyncadd.s32 $0xFFFFE000  }
0xd3: {  	[spmem:s10] =	stream.linear.scatter [tilespmem:s19], [sflag:$0xB], $0x2000, $0x38;
	[tilespmem:$0x1BC80] =	vst v63  }
0xd4: {  	_ =	swait.ge [sflag:s20], $0x2000  }
0xd5: {  	[sflag:s20] =	ssyncset.done $0x0  }
0xd6: {  	[sflag:s20] =	ssyncadd.s32 $0xFFFFE000  }
0xd7: {  	s16 =	simm.s32 $0x4E20;
	[bflag:$0x0] =	sbarrier.arrive $0xFFFF  }
0xd8: {  	[tilespmem:s22], [sflag:$0x1] =	stream.indirect.gather [hbm4b:s5+s21], $0x40, s16, s21, $0xb8;
	[tilespmem:$0x1BC80] =	vst v63  }
0xd9: {  	s16 =	simm.s32 $0x4E70  }
0xda: {  	[tilespmem:s24], [sflag:$0x2] =	stream.indirect.gather [hbm4b:s5+s21], $0x40, s16, s21, $0xb8;
	[tilespmem:$0x1BC80] =	vst v63  }
0xdb: {  	s16 =	simm.s32 $0x4EC0  }
0xdc: {  	[tilespmem:s26], [sflag:$0x3] =	stream.indirect.gather [hbm4b:s5+s21], $0x40, s16, s21, $0xb8;
	[tilespmem:$0x1BC80] =	vst v63  }
0xdd: {  	s16 =	simm.s32 $0x4F10  }
0xde: {  	[tilespmem:s29], [sflag:$0x4] =	stream.indirect.gather [hbm4b:s5+s21], $0x40, s16, s21, $0xb8;
	[tilespmem:$0x1BC80] =	vst v63  }
0xdf: {  	s16 =	simm.s32 $0x4F60  }
0xe0: {  	[tilespmem:s31], [sflag:$0x5] =	stream.indirect.gather [hbm4b:s5+s21], $0x40, s16, s21, $0xb8;
	[tilespmem:$0x1BC80] =	vst v63  }
0xe1: {  	_ =	swait.ge [sflag:s17], $0x1400  }
0xe2: {  	[sflag:s17] =	ssyncset.done $0x0  }
0xe3: {  	s7 =	simm.s32 $0x0;
	[sflag:s17] =	ssyncadd.s32 $0xFFFFEC00  }
0xe4: {  	[spmem:s3] =	stream.indirect.scatter.add.f32 [tilespmem:s22], [sflag:$0x6], $0x40, s7, s21, $0xb8;
	[tilespmem:$0x1BC80] =	vst v63  }
0xe5: {  	_ =	swait.ge [sflag:s18], $0x1400  }
0xe6: {  	[sflag:s18] =	ssyncset.done $0x0  }
0xe7: {  	s7 =	simm.s32 $0x50;
	[sflag:s18] =	ssyncadd.s32 $0xFFFFEC00  }
0xe8: {  	[spmem:s3] =	stream.indirect.scatter.add.f32 [tilespmem:s24], [sflag:$0x7], $0x40, s7, s21, $0xb8;
	[tilespmem:$0x1BC80] =	vst v63  }
0xe9: {  	_ =	swait.ge [sflag:s2], $0x1400  }
0xea: {  	[sflag:s2] =	ssyncset.done $0x0  }
0xeb: {  	s7 =	simm.s32 $0xA0;
	[sflag:s2] =	ssyncadd.s32 $0xFFFFEC00  }
0xec: {  	[spmem:s3] =	stream.indirect.scatter.add.f32 [tilespmem:s26], [sflag:$0x8], $0x40, s7, s21, $0xb8;
	[tilespmem:$0x1BC80] =	vst v63  }
0xed: {  	_ =	swait.ge [sflag:s0], $0x1400  }
0xee: {  	[sflag:s0] =	ssyncset.done $0x0  }
0xef: {  	s7 =	simm.s32 $0xF0;
	[sflag:s0] =	ssyncadd.s32 $0xFFFFEC00  }
0xf0: {  	[spmem:s3] =	stream.indirect.scatter.add.f32 [tilespmem:s29], [sflag:$0x9], $0x40, s7, s21, $0xb8;
	[tilespmem:$0x1BC80] =	vst v63  }
0xf1: {  	_ =	swait.ge [sflag:s4], $0x1400  }
0xf2: {  	[sflag:s4] =	ssyncset.done $0x0  }
0xf3: {  	s7 =	simm.s32 $0x140;
	[sflag:s4] =	ssyncadd.s32 $0xFFFFEC00  }
0xf4: {  	[spmem:s3] =	stream.indirect.scatter.add.f32 [tilespmem:s31], [sflag:$0xA], $0x40, s7, s21, $0xb8;
	[tilespmem:$0x1BC80] =	vst v63  }
0xf5: {  	_ =	swait.ge [sflag:s11], $0x1400  }
0xf6: {  	[sflag:s11] =	ssyncset.done $0x0  }
0xf7: {  	s7 =	simm.s32 $0x4FB0;
	[sflag:s11] =	ssyncadd.s32 $0xFFFFEC00  }
0xf8: {  	[tilespmem:s22], [sflag:$0x1] =	stream.indirect.gather [hbm4b:s5+s21], $0x40, s7, s21, $0xb8;
	[tilespmem:$0x1BC80] =	vst v63  }
0xf9: {  	_ =	swait.ge [sflag:s13], $0x1400  }
0xfa: {  	[sflag:s13] =	ssyncset.done $0x0  }
0xfb: {  	s7 =	simm.s32 $0x5000;
	[sflag:s13] =	ssyncadd.s32 $0xFFFFEC00  }
0xfc: {  	[tilespmem:s24], [sflag:$0x2] =	stream.indirect.gather [hbm4b:s5+s21], $0x40, s7, s21, $0xb8;
	[tilespmem:$0x1BC80] =	vst v63  }
0xfd: {  	_ =	swait.ge [sflag:s14], $0x1400  }
0xfe: {  	[sflag:s14] =	ssyncset.done $0x0  }
0xff: {  	s7 =	simm.s32 $0x5050;
	[sflag:s14] =	ssyncadd.s32 $0xFFFFEC00  }
0x100: {  	[tilespmem:s26], [sflag:$0x3] =	stream.indirect.gather [hbm4b:s5+s21], $0x40, s7, s21, $0xb8;
	[tilespmem:$0x1BC80] =	vst v63  }
0x101: {  	_ =	swait.ge [sflag:s15], $0x1400  }
0x102: {  	[sflag:s15] =	ssyncset.done $0x0  }
0x103: {  	s7 =	simm.s32 $0x50A0;
	[sflag:s15] =	ssyncadd.s32 $0xFFFFEC00  }
0x104: {  	[tilespmem:s29], [sflag:$0x4] =	stream.indirect.gather [hbm4b:s5+s21], $0x40, s7, s21, $0xb8;
	[tilespmem:$0x1BC80] =	vst v63  }
0x105: {  	_ =	swait.ge [sflag:s23], $0x1400  }
0x106: {  	s8 =	smov.u32 s28;
	[sflag:s23] =	ssyncset.done $0x0  }
0x107: {  	s28 =	simm.s32 $0x640;
	s16 =	simm.s32 $0x50F0;
	[sflag:s23] =	ssyncadd.s32 $0xFFFFEC00  }
.LBB2_6:
0x108: {  	[tilespmem:s31], [sflag:$0x5] =	stream.indirect.gather [hbm4b:s5+s21], $0x40, s16, s21, $0xb8;
	[tilespmem:$0x1BC80] =	vst v63  }
0x109: {  	s16 =	smov.u32 s28  }
0x10a: {  	p0 =	sne.s32 s28, $0x12C00;
	s28 =	sadd.s32 $0x640, s28;
	_ =	swait.ge [sflag:s17], $0x1400  }
0x10b: {  	[sflag:s17] =	ssyncset.done $0x0  }
0x10c: {  	s16 =	sshra.s32 s16, $0x2;
	[sflag:s17] =	ssyncadd.s32 $0xFFFFEC00  }
0x10d: {  	[spmem:s3] =	stream.indirect.scatter.add.f32 [tilespmem:s22], [sflag:$0x6], $0x40, s16, s21, $0xb8;
	[tilespmem:$0x1BC80] =	vst v63  }
0x10e: {  	_ =	swait.ge [sflag:s18], $0x1400  }
0x10f: {  	[sflag:s18] =	ssyncset.done $0x0  }
0x110: {  	s7 =	sadd.s32 $0x50, s16;
	[sflag:s18] =	ssyncadd.s32 $0xFFFFEC00  }
0x111: {  	[spmem:s3] =	stream.indirect.scatter.add.f32 [tilespmem:s24], [sflag:$0x7], $0x40, s7, s21, $0xb8;
	[tilespmem:$0x1BC80] =	vst v63  }
0x112: {  	_ =	swait.ge [sflag:s2], $0x1400  }
0x113: {  	[sflag:s2] =	ssyncset.done $0x0  }
0x114: {  	s7 =	sadd.s32 $0xA0, s16;
	[sflag:s2] =	ssyncadd.s32 $0xFFFFEC00  }
0x115: {  	[spmem:s3] =	stream.indirect.scatter.add.f32 [tilespmem:s26], [sflag:$0x8], $0x40, s7, s21, $0xb8;
	[tilespmem:$0x1BC80] =	vst v63  }
0x116: {  	_ =	swait.ge [sflag:s0], $0x1400  }
0x117: {  	[sflag:s0] =	ssyncset.done $0x0  }
0x118: {  	s7 =	sadd.s32 $0xF0, s16;
	[sflag:s0] =	ssyncadd.s32 $0xFFFFEC00  }
0x119: {  	[spmem:s3] =	stream.indirect.scatter.add.f32 [tilespmem:s29], [sflag:$0x9], $0x40, s7, s21, $0xb8;
	[tilespmem:$0x1BC80] =	vst v63  }
0x11a: {  	_ =	swait.ge [sflag:s4], $0x1400  }
0x11b: {  	[sflag:s4] =	ssyncset.done $0x0  }
0x11c: {  	s7 =	sadd.s32 $0x140, s16;
	[sflag:s4] =	ssyncadd.s32 $0xFFFFEC00  }
0x11d: {  	[spmem:s3] =	stream.indirect.scatter.add.f32 [tilespmem:s31], [sflag:$0xA], $0x40, s7, s21, $0xb8;
	[tilespmem:$0x1BC80] =	vst v63  }
0x11e: {  	_ =	swait.ge [sflag:s11], $0x1400  }
0x11f: {  	[sflag:s11] =	ssyncset.done $0x0  }
0x120: {  	s7 =	sadd.s32 $0x4FB0, s16;
	[sflag:s11] =	ssyncadd.s32 $0xFFFFEC00  }
0x121: {  	[tilespmem:s22], [sflag:$0x1] =	stream.indirect.gather [hbm4b:s5+s21], $0x40, s7, s21, $0xb8;
	[tilespmem:$0x1BC80] =	vst v63  }
0x122: {  	_ =	swait.ge [sflag:s13], $0x1400  }
0x123: {  	[sflag:s13] =	ssyncset.done $0x0  }
0x124: {  	s7 =	sadd.s32 $0x5000, s16;
	[sflag:s13] =	ssyncadd.s32 $0xFFFFEC00  }
0x125: {  	[tilespmem:s24], [sflag:$0x2] =	stream.indirect.gather [hbm4b:s5+s21], $0x40, s7, s21, $0xb8;
	[tilespmem:$0x1BC80] =	vst v63  }
0x126: {  	_ =	swait.ge [sflag:s14], $0x1400  }
0x127: {  	[sflag:s14] =	ssyncset.done $0x0  }
0x128: {  	s7 =	sadd.s32 $0x5050, s16;
	[sflag:s14] =	ssyncadd.s32 $0xFFFFEC00  }
0x129: {  	[tilespmem:s26], [sflag:$0x3] =	stream.indirect.gather [hbm4b:s5+s21], $0x40, s7, s21, $0xb8;
	[tilespmem:$0x1BC80] =	vst v63  }
0x12a: {  	_ =	swait.ge [sflag:s15], $0x1400  }
0x12b: {  	[sflag:s15] =	ssyncset.done $0x0  }
.Ltmp2:
0x12c: {  	s7 =	sadd.s32 $0x50A0, s16;
	[sflag:s15] =	ssyncadd.s32 $0xFFFFEC00;
	(pc) =	sbr.rel @p0 .LBB2_6-.Ltmp2, $4  }
0x12d: {  	[tilespmem:s29], [sflag:$0x4] =	stream.indirect.gather [hbm4b:s5+s21], $0x40, s7, s21, $0xb8;
	[tilespmem:$0x1BC80] =	vst v63  }
0x12e: {  	_ =	swait.ge [sflag:s23], $0x1400  }
0x12f: {  	[sflag:s23] =	ssyncset.done $0x0  }
0x130: {  	s16 =	sadd.s32 $0x50F0, s16;
	[sflag:s23] =	ssyncadd.s32 $0xFFFFEC00  }
0x131: {  	[tilespmem:s31], [sflag:$0x5] =	stream.indirect.gather [hbm4b:s5+s21], $0x40, s16, s21, $0xb8;
	[tilespmem:$0x1BC80] =	vst v63  }
0x132: {  	_ =	swait.ge [sflag:s17], $0x1400  }
0x133: {  	[sflag:s17] =	ssyncset.done $0x0  }
0x134: {  	s7 =	simm.s32 $0x4C90;
	[sflag:s17] =	ssyncadd.s32 $0xFFFFEC00  }
0x135: {  	[spmem:s3] =	stream.indirect.scatter.add.f32 [tilespmem:s22], [sflag:$0x6], $0x40, s7, s21, $0xb8;
	[tilespmem:$0x1BC80] =	vst v63  }
0x136: {  	_ =	swait.ge [sflag:s18], $0x1400  }
0x137: {  	[sflag:s18] =	ssyncset.done $0x0  }
0x138: {  	s16 =	simm.s32 $0x4CE0;
	[sflag:s18] =	ssyncadd.s32 $0xFFFFEC00  }
0x139: {  	[spmem:s3] =	stream.indirect.scatter.add.f32 [tilespmem:s24], [sflag:$0x7], $0x40, s16, s21, $0xb8;
	[tilespmem:$0x1BC80] =	vst v63  }
0x13a: {  	_ =	swait.ge [sflag:s2], $0x1400  }
0x13b: {  	[sflag:s2] =	ssyncset.done $0x0  }
0x13c: {  	s16 =	simm.s32 $0x4D30;
	[sflag:s2] =	ssyncadd.s32 $0xFFFFEC00  }
0x13d: {  	[spmem:s3] =	stream.indirect.scatter.add.f32 [tilespmem:s26], [sflag:$0x8], $0x40, s16, s21, $0xb8;
	[tilespmem:$0x1BC80] =	vst v63  }
0x13e: {  	_ =	swait.ge [sflag:s0], $0x1400  }
0x13f: {  	[sflag:s0] =	ssyncset.done $0x0  }
0x140: {  	s16 =	simm.s32 $0x4D80;
	[sflag:s0] =	ssyncadd.s32 $0xFFFFEC00  }
0x141: {  	[spmem:s3] =	stream.indirect.scatter.add.f32 [tilespmem:s29], [sflag:$0x9], $0x40, s16, s21, $0xb8;
	[tilespmem:$0x1BC80] =	vst v63  }
0x142: {  	_ =	swait.ge [sflag:s4], $0x1400  }
0x143: {  	[sflag:s4] =	ssyncset.done $0x0  }
0x144: {  	s16 =	simm.s32 $0x4DD0;
	[sflag:s4] =	ssyncadd.s32 $0xFFFFEC00  }
0x145: {  	[spmem:s3] =	stream.indirect.scatter.add.f32 [tilespmem:s31], [sflag:$0xA], $0x40, s16, s21, $0xb8;
	[tilespmem:$0x1BC80] =	vst v63  }
0x146: {  	_ =	swait.ge [sflag:s11], $0x1400  }
0x147: {  	[sflag:s11] =	ssyncset.done $0x0  }
0x148: {  	[sflag:s11] =	ssyncadd.s32 $0xFFFFEC00  }
0x149: {  	_ =	swait.ge [sflag:s13], $0x1400  }
0x14a: {  	[sflag:s13] =	ssyncset.done $0x0  }
0x14b: {  	[sflag:s13] =	ssyncadd.s32 $0xFFFFEC00  }
0x14c: {  	_ =	swait.ge [sflag:s14], $0x1400  }
0x14d: {  	[sflag:s14] =	ssyncset.done $0x0  }
0x14e: {  	[sflag:s14] =	ssyncadd.s32 $0xFFFFEC00  }
0x14f: {  	_ =	swait.ge [sflag:s15], $0x1400  }
0x150: {  	[sflag:s15] =	ssyncset.done $0x0  }
0x151: {  	[sflag:s15] =	ssyncadd.s32 $0xFFFFEC00  }
0x152: {  	_ =	swait.ge [sflag:s23], $0x1400  }
0x153: {  	[sflag:s23] =	ssyncset.done $0x0  }
0x154: {  	[sflag:s23] =	ssyncadd.s32 $0xFFFFEC00  }
0x155: {  	[bflag:$0x0] =	sbarrier.arrive $0xFFFF  }
0x156: {  	s16 =	simm.s32 $0x20;
	s7 =	rddreg [dreg:$0x7]  }
0x157: {  	[hbm:s7@s16], [sflag:s12] =	dma.strided [spmem:s25@s14], $0x1400, s17, $0x8   }
0x158: {  	_ =	swait.ge [sflag:s20], $0x1400  }
0x159: {  	s30 =	sadd.s32 $0x1, s30;
	s25 =	rddreg [dreg:$0x8]  }
0x15a: {  	p0 =	sne.s32 s30, s25  }
.Ltmp3:
0x15b: {  	_ = 	snop;
	(pc) =	sbr.rel @p0 .LBB2_1-.Ltmp3, $3  }
0x15c: {  	_ =	sdelay $0x1  }
0x15d: {  	[sflag:s20] =	ssyncset.done $0x0  }
0x15e: {  	s28 =	smov.u32 s8;
	[sflag:s20] =	ssyncadd.s32 $0xFFFFEC00  }
0x15f: {  	_ =	sfence.sel $0x180000  }
0x160: {  	[bflag:$0x0] =	sbarrier.arrive $0xFFFF  }
0x161: {  	_ =	strace $0x90000047  }
0x162: {  	s0 =	stileid.u32;
	[bflag:$0x2] =	sbarrier.arrive $0xFFFF  }
0x163: {  	p0 =	sne.s32 s0, $0x0;
	s0 =	rddreg [dreg:$0x3]  }
0x164: {  	s0 =	sadd.s32 @!p0 $0x100000, s0  }
0x165: {  	[sflag:s0] =	ssyncadd.tile.s32 @!p0 $0x1;
	_ =	shalt  }
.Lfunc_end2:
_tile_overlayer_lowered:
.L_overlay_start_2:
0x166: {  	(tag) =	ssettag $0x2  }
0x167: {  	s0 =	rddreg [dreg:$0x0];
	s2 =	stileid.u32  }
0x168: {  	s1 =	rddreg [dreg:$0x1];
	p0 =	sne.s32 s2, $0x0  }
0x169: {  	s3 =	rddreg [dreg:$0x2];
	[bflag:$0x3] =	sbarrier.arrive $0xFFFF;
	s2 =	simm.s32 @!p0 $0x1C0B  }
0x16a: {  	[timem:s3], [sflag:s2] =	dma.local @!p0 [hbm:s0], s1  }
0x16b: {  	s0 =	simm.s32 @!p0 $0xB  }
0x16c: {  	_ =	swait.ge @!p0 [sflag:s0], s1  }
0x16d: {  	s1 =	ssub.s32 @!p0 $0x0, s1;
	[sflag:s0] =	ssyncset.done @!p0 $0x0  }
0x16e: {  	[sflag:s0] =	ssyncadd.s32 @!p0 s1  }
0x16f: {  	[bflag:$0x3] =	sbarrier.arrive $0xFFFF  }
0x170: {  	_ =	shalt  }

</sc_bundles>
